<compile_context>
chip_gen: v7x
topology: tpu7x:2x2x1
jax: 0.10.2.dev20260603
libtpu: 0.0.44.dev20260713+nightly
codegen_flags: <defaults>
</compile_context>

<pallas_src>
import functools

import jax
import jax.numpy as jnp
from jax import lax
from jax.experimental import pallas as pl
from jax.experimental.pallas import tpu as pltpu
from jax.experimental.pallas import tpu_sc as plsc

N = 50000
E = 800000
BM = 2000
NS = 16
EPT = E // NS
CHUNK = 400
STEPS = EPT // CHUNK
RPT = 3128
NPAD = NS * RPT



def _embed_body(x_ref, e_ref, wn_ref, bn_ref, we_ref, be_ref, w0_ref, w1_ref):
    w0_ref[...] = jnp.dot(x_ref[...], wn_ref[...],
                          preferred_element_type=jnp.float32) + bn_ref[...]
    w1_ref[...] = jnp.dot(e_ref[...], we_ref[...],
                          preferred_element_type=jnp.float32) + be_ref[...]


def _embed(x, e, wn, bn, we, be):
    return pl.pallas_call(
        _embed_body,
        grid=(N // BM,),
        in_specs=[
            pl.BlockSpec((BM, 256), lambda i: (i, 0)),
            pl.BlockSpec((BM, 16), lambda i: (i, 0)),
            pl.BlockSpec((256, 32), lambda i: (0, 0)),
            pl.BlockSpec((1, 32), lambda i: (0, 0)),
            pl.BlockSpec((16, 32), lambda i: (0, 0)),
            pl.BlockSpec((1, 32), lambda i: (0, 0)),
        ],
        out_specs=[
            pl.BlockSpec((BM, 32), lambda i: (i, 0)),
            pl.BlockSpec((BM, 32), lambda i: (i, 0)),
        ],
        out_shape=[
            jax.ShapeDtypeStruct((N, 32), jnp.float32),
            jax.ShapeDtypeStruct((N, 32), jnp.float32),
        ],
    )(x, e, wn, bn.reshape(1, 32), we, be.reshape(1, 32))


def _layer1_body(a0_ref, a1_ref, w0_ref, w1_ref, wl1_ref, wr1_ref, b1_ref,
                 wr2_ref, r0_ref, r1_ref, r2_ref):
    agg = jnp.concatenate([a0_ref[...], a1_ref[...]], axis=1)
    w = jnp.concatenate([w0_ref[...], w1_ref[...]], axis=1)
    pre = (
        jnp.dot(agg, wl1_ref[...], preferred_element_type=jnp.float32)
        + b1_ref[...]
        + jnp.dot(w, wr1_ref[...], preferred_element_type=jnp.float32)
    )
    nrm = jnp.sqrt(jnp.sum(pre * pre, axis=1, keepdims=True))
    red = pre / jnp.maximum(nrm, 1e-12)
    red = jnp.where(red > 0, red, jnp.exp(jnp.minimum(red, 0.0)) - 1.0)
    r0_ref[...] = red[:, :32]
    r1_ref[...] = red[:, 32:]
    r2_ref[...] = jnp.dot(red, wr2_ref[...], preferred_element_type=jnp.float32)


def _layer1(a0, a1, w0, w1, wl1, wr1, b1, wr2):
    return pl.pallas_call(
        _layer1_body,
        grid=(N // BM,),
        in_specs=[
            pl.BlockSpec((BM, 32), lambda i: (i, 0)),
            pl.BlockSpec((BM, 32), lambda i: (i, 0)),
            pl.BlockSpec((BM, 32), lambda i: (i, 0)),
            pl.BlockSpec((BM, 32), lambda i: (i, 0)),
            pl.BlockSpec((64, 64), lambda i: (0, 0)),
            pl.BlockSpec((64, 64), lambda i: (0, 0)),
            pl.BlockSpec((1, 64), lambda i: (0, 0)),
            pl.BlockSpec((64, 16), lambda i: (0, 0)),
        ],
        out_specs=[
            pl.BlockSpec((BM, 32), lambda i: (i, 0)),
            pl.BlockSpec((BM, 32), lambda i: (i, 0)),
            pl.BlockSpec((BM, 16), lambda i: (i, 0)),
        ],
        out_shape=[
            jax.ShapeDtypeStruct((N, 32), jnp.float32),
            jax.ShapeDtypeStruct((N, 32), jnp.float32),
            jax.ShapeDtypeStruct((N, 16), jnp.float32),
        ],
    )(a0, a1, w0, w1, wl1, wr1, b1.reshape(1, 64), wr2)


def _final_body(p0_ref, p1_ref, wl2_ref, b2_ref, r2_ref, out_ref):
    agg2 = jnp.concatenate([p0_ref[...], p1_ref[...]], axis=1)
    clust = (
        jnp.dot(agg2, wl2_ref[...], preferred_element_type=jnp.float32)
        + b2_ref[...]
        + r2_ref[...]
    )
    m = jnp.max(clust, axis=1, keepdims=True)
    j = lax.broadcasted_iota(jnp.int32, clust.shape, 1)
    cand = jnp.where(clust >= m, j, 16)
    jmin = jnp.min(cand, axis=1, keepdims=True)
    out_ref[...] = (j == jmin).astype(jnp.float32)


def _final(p0, p1, wl2, b2, r2):
    return pl.pallas_call(
        _final_body,
        grid=(N // BM,),
        in_specs=[
            pl.BlockSpec((BM, 32), lambda i: (i, 0)),
            pl.BlockSpec((BM, 32), lambda i: (i, 0)),
            pl.BlockSpec((64, 16), lambda i: (0, 0)),
            pl.BlockSpec((1, 16), lambda i: (0, 0)),
            pl.BlockSpec((BM, 16), lambda i: (i, 0)),
        ],
        out_specs=pl.BlockSpec((BM, 16), lambda i: (i, 0)),
        out_shape=jax.ShapeDtypeStruct((N, 16), jnp.float32),
    )(p0, p1, wl2, b2.reshape(1, 16), r2)



def _segsum_body(t0, t1, src_hbm, dst_hbm, o0, o1,
                 src_v, dst_v, rows_v, acc, sem):
    cid = lax.axis_index("c")
    sid = lax.axis_index("s")

    def zrow(i, _):
        rows_v[i, 0:16] = jnp.zeros((16,), jnp.float32)
        rows_v[i, 16:32] = jnp.zeros((16,), jnp.float32)
        return 0
    lax.fori_loop(0, CHUNK, zrow, 0)
    row0 = sid * RPT

    def zcopy(k, _):
        pltpu.sync_copy(rows_v, acc.at[pl.ds(row0 + k * CHUNK, CHUNK)])
        return 0
    lax.fori_loop(0, 7, zcopy, 0)
    pltpu.sync_copy(rows_v.at[pl.ds(0, RPT - 7 * CHUNK)],
                    acc.at[pl.ds(row0 + 7 * CHUNK, RPT - 7 * CHUNK)])
    plsc.subcore_barrier()

    def run(table, out):
        def step(it, _):
            base = sid * EPT + it * CHUNK
            pltpu.sync_copy(src_hbm.at[pl.ds(base, CHUNK)], src_v)
            pltpu.sync_copy(dst_hbm.at[pl.ds(base, CHUNK)], dst_v)
            pltpu.async_copy(table.at[src_v], rows_v, sem).wait()
            pltpu.sync_copy(rows_v, acc.at[dst_v], add=True)
            return 0
        lax.fori_loop(0, STEPS, step, 0)
        plsc.subcore_barrier()
        pltpu.sync_copy(acc.at[pl.ds(row0, RPT)], out.at[pl.ds(row0, RPT)])

    @pl.when(cid == 0)
    def _():
        run(t0, o0)

    @pl.when(cid == 1)
    def _():
        run(t1, o1)


def _sc_segsum(t0, t1, src, dst):
    mesh = plsc.VectorSubcoreMesh(core_axis_name="c", subcore_axis_name="s",
                                  num_cores=2, num_subcores=NS)
    f = pl.kernel(
        _segsum_body,
        out_type=[
            jax.ShapeDtypeStruct((NPAD, 32), jnp.float32),
            jax.ShapeDtypeStruct((NPAD, 32), jnp.float32),
        ],
        mesh=mesh,
        compiler_params=pltpu.CompilerParams(use_tc_tiling_on_sc=False),
        scratch_types=[
            pltpu.VMEM((CHUNK,), jnp.int32),
            pltpu.VMEM((CHUNK,), jnp.int32),
            pltpu.VMEM((CHUNK, 32), jnp.float32),
            pltpu.VMEM_SHARED((NPAD, 32), jnp.float32),
            pltpu.SemaphoreType.DMA,
        ],
    )
    return f(t0, t1, src, dst)


def kernel(nodefeature, edge_feature, edge_index, Wn, bn, We, be, Wl1, Wr1,
           b1, Wl2, Wr2, b2):
    src = edge_index[0]
    dst = edge_index[1]
    w0, w1 = _embed(nodefeature, edge_feature, Wn, bn, We, be)
    a0, a1 = _sc_segsum(w0, w1, src, dst)
    r0, r1, r2 = _layer1(a0, a1, w0, w1, Wl1, Wr1, b1, Wr2)
    p0, p1 = _sc_segsum(r0, r1, src, dst)
    return _final(p0, p1, Wl2, b2, r2)

# --- scband reference (transcript-rebuilt; emitter-appended) ---
"""Pipeline reference for scband-e2-egpmodel-76467597738361 (READ-ONLY COPY).

The authoritative reference and input builder live on the scoring server;
editing this copy changes nothing except your own understanding.
"""

import jax, jax.numpy as jnp
import numpy as np

N = 50000
E = 800000
D_NODE = 256
D_EDGE = 16
H = 32
C = 16


def _l2norm(x):
    n = jnp.linalg.norm(x, axis=-1, keepdims=True)
    return x / jnp.maximum(n, 1e-12)


def setup_inputs(seed: int = 0):
    key = jax.random.key(seed)
    ks = jax.random.split(key, 16)
    D2 = 2 * H
    inp = {}
    inp["nodefeature"] = jax.random.normal(ks[0], (N, D_NODE), dtype=jnp.float32)
    inp["edge_feature"] = jax.random.normal(ks[1], (N, D_EDGE), dtype=jnp.float32)
    inp["edge_index"] = jax.random.randint(ks[2], (2, E), 0, N, dtype=jnp.int32)
    inp["Wn"] = jax.random.normal(ks[3], (D_NODE, H), dtype=jnp.float32) / np.sqrt(D_NODE)
    inp["bn"] = jnp.zeros((H,), dtype=jnp.float32)
    inp["We"] = jax.random.normal(ks[4], (D_EDGE, H), dtype=jnp.float32) / np.sqrt(D_EDGE)
    inp["be"] = jnp.zeros((H,), dtype=jnp.float32)
    inp["Wl1"] = jax.random.normal(ks[5], (D2, D2), dtype=jnp.float32) / np.sqrt(D2)
    inp["Wr1"] = jax.random.normal(ks[6], (D2, D2), dtype=jnp.float32) / np.sqrt(D2)
    inp["b1"] = jnp.zeros((D2,), dtype=jnp.float32)
    inp["Wl2"] = jax.random.normal(ks[7], (D2, C), dtype=jnp.float32) / np.sqrt(D2)
    inp["Wr2"] = jax.random.normal(ks[8], (D2, C), dtype=jnp.float32) / np.sqrt(D2)
    inp["b2"] = jnp.zeros((C,), dtype=jnp.float32)
    return inp


def _sage_conv(x, src, dst, Wl, Wr, b):
    # PyG SAGEConv(aggr='add', normalize=True):
    #   out = lin_l(segment_sum(x[src] -> dst)) + lin_r(x); then L2-normalize rows.
    agg = jax.ops.segment_sum(x[src], dst, num_segments=N)
    out = agg @ Wl + b + x @ Wr
    return _l2norm(out)


def reference(nodefeature, edge_feature, edge_index, Wn, bn, We, be, Wl1, Wr1, b1, Wl2, Wr2, b2):
    src = edge_index[0]
    dst = edge_index[1]
    node_dim = nodefeature @ Wn + bn
    edge_dim = edge_feature @ We + be
    whole_embed = jnp.concatenate([node_dim, edge_dim], axis=1)
    # shared_sage: GraphSAGE with num_layers=1 -> single SAGEConv (dropout/ELU loop is empty)
    reduced = _sage_conv(whole_embed, src, dst, Wl1, Wr1, b1)
    reduced = jax.nn.elu(reduced)
    # sum_sage: single SAGEConv to n_clust dims
    clust = _sage_conv(reduced, src, dst, Wl2, Wr2, b2)
    soft_S = jax.nn.log_softmax(clust, axis=1)
    # TransferOnehot: straight-through hard one-hot of argmax
    mask = jax.nn.one_hot(jnp.argmax(soft_S, axis=1), C, dtype=soft_S.dtype)
    hard_S = jax.lax.stop_gradient(mask - soft_S) + soft_S
    return hard_S

if __name__ == "__main__":
    import jax
    _d = setup_inputs()
    print(jax.jit(kernel)(*tuple(_d.values())))

</pallas_src>

<mosaic_0001>
#map = affine_map<(d0, d1) -> (0, 0)>
#map1 = affine_map<(d0, d1) -> (0)>
module attributes {stable_mosaic.version = 14 : i64} {
  func.func @_segsum_body(%arg0: i32, %arg1: i32, %arg2: memref<50000x32xf32, #tpu.memory_space<hbm>>, %arg3: memref<50000x32xf32, #tpu.memory_space<hbm>>, %arg4: memref<800000xi32, #tpu.memory_space<hbm>>, %arg5: memref<800000xi32, #tpu.memory_space<hbm>>, %arg6: memref<50048x32xf32, #tpu.memory_space<hbm>>, %arg7: memref<50048x32xf32, #tpu.memory_space<hbm>>, %arg8: memref<400xi32, #tpu.memory_space<vmem>>, %arg9: memref<400xi32, #tpu.memory_space<vmem>>, %arg10: memref<400x32xf32, #tpu.memory_space<vmem>>, %arg11: memref<50048x32xf32, #tpu.memory_space<vmem_shared>>, %arg12: memref<!tpu.dma_semaphore, #tpu.memory_space<semaphore_mem>>) attributes {dimension_semantics = [#tpu.dimension_semantics<core_parallel>, #tpu.dimension_semantics<subcore_parallel>], iteration_bounds = array<i64: 2, 16>, scalar_prefetch = 0 : i64, scratch_operands = 5 : i64, tpu.core_type = #tpu.core_type<sc_vector_subcore>, window_params = [{transform_indices = #map}, {transform_indices = #map}, {transform_indices = #map1}, {transform_indices = #map1}, {transform_indices = #map}, {transform_indices = #map}]} {
    %scan3A = arith.constant 0 : i32
    %scan3A_0 = arith.constant 0 : i32
    %scan3A_1 = arith.constant 400 : i32
    %scan3A_2 = arith.addi %scan3A_0, %scan3A_1 : i32
    %scan3A_3 = arith.constant 1 : i32
    %scan3A_4 = scf.for %scan3A_22 = %scan3A_0 to %scan3A_2 step %scan3A_3 iter_args(%scan3A_23 = %scan3A) -> (i32)  : i32 {
      %broadcast_in_dim3A = arith.constant 0.000000e+00 : f32
      %broadcast_in_dim3A_24 = vector.broadcast %broadcast_in_dim3A : f32 to vector<16xf32>
      %swap3A = arith.index_cast %scan3A_22 : i32 to index
      %swap3A_25 = arith.constant 0 : index
      %swap3A_26 = tpu.vector_load %arg10[%swap3A, %swap3A_25] {strides = array<i32>} : memref<400x32xf32, #tpu.memory_space<vmem>>, vector<1x16xf32>,
      %swap3A_27 = vector.shape_cast %swap3A_26 : vector<1x16xf32> to vector<16xf32>
      %swap3A_28 = vector.shape_cast %broadcast_in_dim3A_24 : vector<16xf32> to vector<1x16xf32>
      tpu.vector_store %arg10[%swap3A, %swap3A_25], %swap3A_28 {strides = array<i32>} : memref<400x32xf32, #tpu.memory_space<vmem>>, vector<1x16xf32>,
      %broadcast_in_dim3A_29 = arith.constant 0.000000e+00 : f32
      %broadcast_in_dim3A_30 = vector.broadcast %broadcast_in_dim3A_29 : f32 to vector<16xf32>
      %swap3A_31 = arith.index_cast %scan3A_22 : i32 to index
      %swap3A_32 = arith.constant 16 : index
      %swap3A_33 = tpu.vector_load %arg10[%swap3A_31, %swap3A_32] {strides = array<i32>} : memref<400x32xf32, #tpu.memory_space<vmem>>, vector<1x16xf32>,
      %swap3A_34 = vector.shape_cast %swap3A_33 : vector<1x16xf32> to vector<16xf32>
      %swap3A_35 = vector.shape_cast %broadcast_in_dim3A_30 : vector<16xf32> to vector<1x16xf32>
      tpu.vector_store %arg10[%swap3A_31, %swap3A_32], %swap3A_35 {strides = array<i32>} : memref<400x32xf32, #tpu.memory_space<vmem>>, vector<1x16xf32>,
      %scan3A_36 = arith.constant 0 : i32
      scf.yield %scan3A_36 : i32
    }
    %scan3A_5 = arith.constant 400 : i32
    %mul3A = arith.constant 3128 : i32
    %mul3A_6 = arith.muli %arg1, %mul3A : i32
    %scan3A_7 = arith.constant 0 : i32
    %scan3A_8 = arith.constant 0 : i32
    %scan3A_9 = arith.constant 7 : i32
    %scan3A_10 = arith.addi %scan3A_8, %scan3A_9 : i32
    %scan3A_11 = arith.constant 1 : i32
    %scan3A_12 = scf.for %scan3A_22 = %scan3A_8 to %scan3A_10 step %scan3A_11 iter_args(%scan3A_23 = %scan3A_7) -> (i32)  : i32 {
      %mul3A_24 = arith.constant 400 : i32
      %mul3A_25 = arith.muli %scan3A_22, %mul3A_24 : i32
      %add3A_26 = arith.addi %mul3A_6, %mul3A_25 : i32
      "tpu.region"() ({
        %run_scoped3A = tpu.sem_alloc : memref<!tpu.dma_semaphore, #tpu.memory_space<semaphore_mem>>
        %dma_start3A = arith.constant 0 : i32
        %dma_start3A_28 = tpu.memref_slice %arg11[%add3A_26, %dma_start3A] : memref<50048x32xf32, #tpu.memory_space<vmem_shared>> -> memref<400x32xf32, #tpu.memory_space<vmem_shared>>
        %dma_start3A_29 = arith.constant 0 : i32
        %dma_start3A_30 = tpu.memref_slice %arg11[%add3A_26, %dma_start3A_29] : memref<50048x32xf32, #tpu.memory_space<vmem_shared>> -> memref<400x32xf32, #tpu.memory_space<vmem_shared>>
        tpu.enqueue_dma source(%arg10 : memref<400x32xf32, #tpu.memory_space<vmem>>) target(%dma_start3A_30 : memref<400x32xf32, #tpu.memory_space<vmem_shared>>) target_semaphore(%run_scoped3A : memref<!tpu.dma_semaphore, #tpu.memory_space<semaphore_mem>>)
        %dma_wait3A = arith.constant 0 : i32
        %dma_wait3A_31 = tpu.memref_slice %arg11[%add3A_26, %dma_wait3A] : memref<50048x32xf32, #tpu.memory_space<vmem_shared>> -> memref<400x32xf32, #tpu.memory_space<vmem_shared>>
        %dma_wait3A_32 = arith.constant 0 : i32
        %dma_wait3A_33 = tpu.memref_slice %arg11[%add3A_26, %dma_wait3A_32] : memref<50048x32xf32, #tpu.memory_space<vmem_shared>> -> memref<400x32xf32, #tpu.memory_space<vmem_shared>>
        tpu.wait_dma2 semaphore(%run_scoped3A : memref<!tpu.dma_semaphore, #tpu.memory_space<semaphore_mem>>) src(%arg10 : memref<400x32xf32, #tpu.memory_space<vmem>>) dst(%dma_wait3A_33 : memref<400x32xf32, #tpu.memory_space<vmem_shared>>)
        tpu.yield
      }) : () -> ()
      %scan3A_27 = arith.constant 0 : i32
      scf.yield %scan3A_27 : i32
    }
    %scan3A_13 = arith.constant 7 : i32
    %add3A = arith.constant 2800 : i32
    %add3A_14 = arith.addi %mul3A_6, %add3A : i32
    "tpu.region"() ({
      %run_scoped3A = tpu.sem_alloc : memref<!tpu.dma_semaphore, #tpu.memory_space<semaphore_mem>>
      %dma_start3A = arith.constant 0 : i32
      %dma_start3A_22 = arith.constant 0 : i32
      %dma_start3A_23 = tpu.memref_slice %arg10[%dma_start3A, %dma_start3A_22] : memref<400x32xf32, #tpu.memory_space<vmem>> -> memref<328x32xf32, #tpu.memory_space<vmem>>
      %dma_start3A_24 = arith.constant 0 : i32
      %dma_start3A_25 = tpu.memref_slice %arg11[%add3A_14, %dma_start3A_24] : memref<50048x32xf32, #tpu.memory_space<vmem_shared>> -> memref<328x32xf32, #tpu.memory_space<vmem_shared>>
      %dma_start3A_26 = arith.constant 0 : i32
      %dma_start3A_27 = tpu.memref_slice %arg11[%add3A_14, %dma_start3A_26] : memref<50048x32xf32, #tpu.memory_space<vmem_shared>> -> memref<328x32xf32, #tpu.memory_space<vmem_shared>>
      %dma_start3A_28 = arith.constant 0 : i32
      %dma_start3A_29 = arith.constant 0 : i32
      %dma_start3A_30 = tpu.memref_slice %arg10[%dma_start3A_28, %dma_start3A_29] : memref<400x32xf32, #tpu.memory_space<vmem>> -> memref<328x32xf32, #tpu.memory_space<vmem>>
      tpu.enqueue_dma source(%dma_start3A_30 : memref<328x32xf32, #tpu.memory_space<vmem>>) target(%dma_start3A_27 : memref<328x32xf32, #tpu.memory_space<vmem_shared>>) target_semaphore(%run_scoped3A : memref<!tpu.dma_semaphore, #tpu.memory_space<semaphore_mem>>)
      %dma_wait3A = arith.constant 0 : i32
      %dma_wait3A_31 = arith.constant 0 : i32
      %dma_wait3A_32 = tpu.memref_slice %arg10[%dma_wait3A, %dma_wait3A_31] : memref<400x32xf32, #tpu.memory_space<vmem>> -> memref<328x32xf32, #tpu.memory_space<vmem>>
      %dma_wait3A_33 = arith.constant 0 : i32
      %dma_wait3A_34 = tpu.memref_slice %arg11[%add3A_14, %dma_wait3A_33] : memref<50048x32xf32, #tpu.memory_space<vmem_shared>> -> memref<328x32xf32, #tpu.memory_space<vmem_shared>>
      %dma_wait3A_35 = arith.constant 0 : i32
      %dma_wait3A_36 = tpu.memref_slice %arg11[%add3A_14, %dma_wait3A_35] : memref<50048x32xf32, #tpu.memory_space<vmem_shared>> -> memref<328x32xf32, #tpu.memory_space<vmem_shared>>
      %dma_wait3A_37 = arith.constant 0 : i32
      %dma_wait3A_38 = arith.constant 0 : i32
      %dma_wait3A_39 = tpu.memref_slice %arg10[%dma_wait3A_37, %dma_wait3A_38] : memref<400x32xf32, #tpu.memory_space<vmem>> -> memref<328x32xf32, #tpu.memory_space<vmem>>
      tpu.wait_dma2 semaphore(%run_scoped3A : memref<!tpu.dma_semaphore, #tpu.memory_space<semaphore_mem>>) src(%dma_wait3A_39 : memref<328x32xf32, #tpu.memory_space<vmem>>) dst(%dma_wait3A_36 : memref<328x32xf32, #tpu.memory_space<vmem_shared>>)
      tpu.yield
    }) : () -> ()
    %barrier3A = arith.constant 0 : index
    tpu.barrier barrier_id(%barrier3A)
    %eq3A = arith.constant 0 : i32
    %eq3A_15 = arith.cmpi eq, %arg0, %eq3A : i32
    %convert_element_type3A = arith.extui %eq3A_15 : i1 to i32
    %cond3A = arith.constant 0 : i32
    %cond3A_16 = arith.cmpi ne, %convert_element_type3A, %cond3A : i32
    scf.if %cond3A_16 {
      %scan3A_22 = arith.constant 0 : i32
      %scan3A_23 = arith.constant 0 : i32
      %scan3A_24 = arith.constant 125 : i32
      %scan3A_25 = arith.addi %scan3A_23, %scan3A_24 : i32
      %scan3A_26 = arith.constant 1 : i32
      %scan3A_27 = scf.for %scan3A_30 = %scan3A_23 to %scan3A_25 step %scan3A_26 iter_args(%scan3A_31 = %scan3A_22) -> (i32)  : i32 {
        %mul3A_32 = arith.constant 50000 : i32
        %mul3A_33 = arith.muli %arg1, %mul3A_32 : i32
        %mul3A_34 = arith.constant 400 : i32
        %mul3A_35 = arith.muli %scan3A_30, %mul3A_34 : i32
        %add3A_36 = arith.addi %mul3A_33, %mul3A_35 : i32
        "tpu.region"() ({
          %run_scoped3A = tpu.sem_alloc : memref<!tpu.dma_semaphore, #tpu.memory_space<semaphore_mem>>
          %dma_start3A_42 = tpu.memref_slice %arg4[%add3A_36] : memref<800000xi32, #tpu.memory_space<hbm>> -> memref<400xi32, #tpu.memory_space<hbm>>
          %dma_start3A_43 = tpu.memref_slice %arg4[%add3A_36] : memref<800000xi32, #tpu.memory_space<hbm>> -> memref<400xi32, #tpu.memory_space<hbm>>
          tpu.enqueue_dma source(%dma_start3A_43 : memref<400xi32, #tpu.memory_space<hbm>>) target(%arg8 : memref<400xi32, #tpu.memory_space<vmem>>) target_semaphore(%run_scoped3A : memref<!tpu.dma_semaphore, #tpu.memory_space<semaphore_mem>>)
          %dma_wait3A_44 = tpu.memref_slice %arg4[%add3A_36] : memref<800000xi32, #tpu.memory_space<hbm>> -> memref<400xi32, #tpu.memory_space<hbm>>
          %dma_wait3A_45 = tpu.memref_slice %arg4[%add3A_36] : memref<800000xi32, #tpu.memory_space<hbm>> -> memref<400xi32, #tpu.memory_space<hbm>>
          tpu.wait_dma2 semaphore(%run_scoped3A : memref<!tpu.dma_semaphore, #tpu.memory_space<semaphore_mem>>) src(%dma_wait3A_45 : memref<400xi32, #tpu.memory_space<hbm>>) dst(%arg8 : memref<400xi32, #tpu.memory_space<vmem>>)
          tpu.yield
        }) : () -> ()
        "tpu.region"() ({
          %run_scoped3A = tpu.sem_alloc : memref<!tpu.dma_semaphore, #tpu.memory_space<semaphore_mem>>
          %dma_start3A_42 = tpu.memref_slice %arg5[%add3A_36] : memref<800000xi32, #tpu.memory_space<hbm>> -> memref<400xi32, #tpu.memory_space<hbm>>
          %dma_start3A_43 = tpu.memref_slice %arg5[%add3A_36] : memref<800000xi32, #tpu.memory_space<hbm>> -> memref<400xi32, #tpu.memory_space<hbm>>
          tpu.enqueue_dma source(%dma_start3A_43 : memref<400xi32, #tpu.memory_space<hbm>>) target(%arg9 : memref<400xi32, #tpu.memory_space<vmem>>) target_semaphore(%run_scoped3A : memref<!tpu.dma_semaphore, #tpu.memory_space<semaphore_mem>>)
          %dma_wait3A_44 = tpu.memref_slice %arg5[%add3A_36] : memref<800000xi32, #tpu.memory_space<hbm>> -> memref<400xi32, #tpu.memory_space<hbm>>
          %dma_wait3A_45 = tpu.memref_slice %arg5[%add3A_36] : memref<800000xi32, #tpu.memory_space<hbm>> -> memref<400xi32, #tpu.memory_space<hbm>>
          tpu.wait_dma2 semaphore(%run_scoped3A : memref<!tpu.dma_semaphore, #tpu.memory_space<semaphore_mem>>) src(%dma_wait3A_45 : memref<400xi32, #tpu.memory_space<hbm>>) dst(%arg9 : memref<400xi32, #tpu.memory_space<vmem>>)
          tpu.yield
        }) : () -> ()
        %dma_start3A = arith.constant 0 : i32
        %dma_start3A_37 = arith.constant 0 : i32
        %dma_start3A_38 = tpu.memref_slice %arg2[%dma_start3A, %dma_start3A_37] : memref<50000x32xf32, #tpu.memory_space<hbm>> -> memref<50000x32xf32, #tpu.memory_space<hbm>>
        tpu.enqueue_indirect_dma source(%dma_start3A_38 : memref<50000x32xf32, #tpu.memory_space<hbm>>) target(%arg10 : memref<400x32xf32, #tpu.memory_space<vmem>>) offsets(%arg8 : memref<400xi32, #tpu.memory_space<vmem>>) semaphore(%arg12 : memref<!tpu.dma_semaphore, #tpu.memory_space<semaphore_mem>>)
        %dma_wait3A = arith.constant 0 : i32
        %dma_wait3A_39 = arith.constant 0 : i32
        %dma_wait3A_40 = tpu.memref_slice %arg2[%dma_wait3A, %dma_wait3A_39] : memref<50000x32xf32, #tpu.memory_space<hbm>> -> memref<50000x32xf32, #tpu.memory_space<hbm>>
        tpu.wait_indirect_dma semaphore(%arg12 : memref<!tpu.dma_semaphore, #tpu.memory_space<semaphore_mem>>) src(%dma_wait3A_40 : memref<50000x32xf32, #tpu.memory_space<hbm>>) dst(%arg10 : memref<400x32xf32, #tpu.memory_space<vmem>>)
        "tpu.region"() ({
          %run_scoped3A = tpu.sem_alloc : memref<!tpu.dma_semaphore, #tpu.memory_space<semaphore_mem>>
          %dma_start3A_42 = arith.constant 0 : i32
          %dma_start3A_43 = arith.constant 0 : i32
          %dma_start3A_44 = tpu.memref_slice %arg11[%dma_start3A_42, %dma_start3A_43] : memref<50048x32xf32, #tpu.memory_space<vmem_shared>> -> memref<50048x32xf32, #tpu.memory_space<vmem_shared>>
          tpu.enqueue_indirect_dma source(%arg10 : memref<400x32xf32, #tpu.memory_space<vmem>>) target(%dma_start3A_44 : memref<50048x32xf32, #tpu.memory_space<vmem_shared>>) offsets(%arg9 : memref<400xi32, #tpu.memory_space<vmem>>) semaphore(%run_scoped3A : memref<!tpu.dma_semaphore, #tpu.memory_space<semaphore_mem>>) {add = true}
          %dma_wait3A_45 = arith.constant 0 : i32
          %dma_wait3A_46 = arith.constant 0 : i32
          %dma_wait3A_47 = tpu.memref_slice %arg11[%dma_wait3A_45, %dma_wait3A_46] : memref<50048x32xf32, #tpu.memory_space<vmem_shared>> -> memref<50048x32xf32, #tpu.memory_space<vmem_shared>>
          tpu.wait_indirect_dma semaphore(%run_scoped3A : memref<!tpu.dma_semaphore, #tpu.memory_space<semaphore_mem>>) src(%arg10 : memref<400x32xf32, #tpu.memory_space<vmem>>) dst(%dma_wait3A_47 : memref<50048x32xf32, #tpu.memory_space<vmem_shared>>)
          tpu.yield
        }) : () -> ()
        %scan3A_41 = arith.constant 0 : i32
        scf.yield %scan3A_41 : i32
      }
      %scan3A_28 = arith.constant 125 : i32
      %barrier3A_29 = arith.constant 0 : index
      tpu.barrier barrier_id(%barrier3A_29)
      "tpu.region"() ({
        %run_scoped3A = tpu.sem_alloc : memref<!tpu.dma_semaphore, #tpu.memory_space<semaphore_mem>>
        %dma_start3A = arith.constant 0 : i32
        %dma_start3A_30 = tpu.memref_slice %arg6[%mul3A_6, %dma_start3A] : memref<50048x32xf32, #tpu.memory_space<hbm>> -> memref<3128x32xf32, #tpu.memory_space<hbm>>
        %dma_start3A_31 = arith.constant 0 : i32
        %dma_start3A_32 = tpu.memref_slice %arg11[%mul3A_6, %dma_start3A_31] : memref<50048x32xf32, #tpu.memory_space<vmem_shared>> -> memref<3128x32xf32, #tpu.memory_space<vmem_shared>>
        tpu.enqueue_dma source(%dma_start3A_32 : memref<3128x32xf32, #tpu.memory_space<vmem_shared>>) target(%dma_start3A_30 : memref<3128x32xf32, #tpu.memory_space<hbm>>) target_semaphore(%run_scoped3A : memref<!tpu.dma_semaphore, #tpu.memory_space<semaphore_mem>>)
        %dma_wait3A = arith.constant 0 : i32
        %dma_wait3A_33 = tpu.memref_slice %arg6[%mul3A_6, %dma_wait3A] : memref<50048x32xf32, #tpu.memory_space<hbm>> -> memref<3128x32xf32, #tpu.memory_space<hbm>>
        %dma_wait3A_34 = arith.constant 0 : i32
        %dma_wait3A_35 = tpu.memref_slice %arg11[%mul3A_6, %dma_wait3A_34] : memref<50048x32xf32, #tpu.memory_space<vmem_shared>> -> memref<3128x32xf32, #tpu.memory_space<vmem_shared>>
        tpu.wait_dma2 semaphore(%run_scoped3A : memref<!tpu.dma_semaphore, #tpu.memory_space<semaphore_mem>>) src(%dma_wait3A_35 : memref<3128x32xf32, #tpu.memory_space<vmem_shared>>) dst(%dma_wait3A_33 : memref<3128x32xf32, #tpu.memory_space<hbm>>)
        tpu.yield
      }) : () -> ()
    } else {
    }
    %eq3A_17 = arith.constant 1 : i32
    %eq3A_18 = arith.cmpi eq, %arg0, %eq3A_17 : i32
    %convert_element_type3A_19 = arith.extui %eq3A_18 : i1 to i32
    %cond3A_20 = arith.constant 0 : i32
    %cond3A_21 = arith.cmpi ne, %convert_element_type3A_19, %cond3A_20 : i32
    scf.if %cond3A_21 {
      %scan3A_22 = arith.constant 0 : i32
      %scan3A_23 = arith.constant 0 : i32
      %scan3A_24 = arith.constant 125 : i32
      %scan3A_25 = arith.addi %scan3A_23, %scan3A_24 : i32
      %scan3A_26 = arith.constant 1 : i32
      %scan3A_27 = scf.for %scan3A_30 = %scan3A_23 to %scan3A_25 step %scan3A_26 iter_args(%scan3A_31 = %scan3A_22) -> (i32)  : i32 {
        %mul3A_32 = arith.constant 50000 : i32
        %mul3A_33 = arith.muli %arg1, %mul3A_32 : i32
        %mul3A_34 = arith.constant 400 : i32
        %mul3A_35 = arith.muli %scan3A_30, %mul3A_34 : i32
        %add3A_36 = arith.addi %mul3A_33, %mul3A_35 : i32
        "tpu.region"() ({
          %run_scoped3A = tpu.sem_alloc : memref<!tpu.dma_semaphore, #tpu.memory_space<semaphore_mem>>
          %dma_start3A_42 = tpu.memref_slice %arg4[%add3A_36] : memref<800000xi32, #tpu.memory_space<hbm>> -> memref<400xi32, #tpu.memory_space<hbm>>
          %dma_start3A_43 = tpu.memref_slice %arg4[%add3A_36] : memref<800000xi32, #tpu.memory_space<hbm>> -> memref<400xi32, #tpu.memory_space<hbm>>
          tpu.enqueue_dma source(%dma_start3A_43 : memref<400xi32, #tpu.memory_space<hbm>>) target(%arg8 : memref<400xi32, #tpu.memory_space<vmem>>) target_semaphore(%run_scoped3A : memref<!tpu.dma_semaphore, #tpu.memory_space<semaphore_mem>>)
          %dma_wait3A_44 = tpu.memref_slice %arg4[%add3A_36] : memref<800000xi32, #tpu.memory_space<hbm>> -> memref<400xi32, #tpu.memory_space<hbm>>
          %dma_wait3A_45 = tpu.memref_slice %arg4[%add3A_36] : memref<800000xi32, #tpu.memory_space<hbm>> -> memref<400xi32, #tpu.memory_space<hbm>>
          tpu.wait_dma2 semaphore(%run_scoped3A : memref<!tpu.dma_semaphore, #tpu.memory_space<semaphore_mem>>) src(%dma_wait3A_45 : memref<400xi32, #tpu.memory_space<hbm>>) dst(%arg8 : memref<400xi32, #tpu.memory_space<vmem>>)
          tpu.yield
        }) : () -> ()
        "tpu.region"() ({
          %run_scoped3A = tpu.sem_alloc : memref<!tpu.dma_semaphore, #tpu.memory_space<semaphore_mem>>
          %dma_start3A_42 = tpu.memref_slice %arg5[%add3A_36] : memref<800000xi32, #tpu.memory_space<hbm>> -> memref<400xi32, #tpu.memory_space<hbm>>
          %dma_start3A_43 = tpu.memref_slice %arg5[%add3A_36] : memref<800000xi32, #tpu.memory_space<hbm>> -> memref<400xi32, #tpu.memory_space<hbm>>
          tpu.enqueue_dma source(%dma_start3A_43 : memref<400xi32, #tpu.memory_space<hbm>>) target(%arg9 : memref<400xi32, #tpu.memory_space<vmem>>) target_semaphore(%run_scoped3A : memref<!tpu.dma_semaphore, #tpu.memory_space<semaphore_mem>>)
          %dma_wait3A_44 = tpu.memref_slice %arg5[%add3A_36] : memref<800000xi32, #tpu.memory_space<hbm>> -> memref<400xi32, #tpu.memory_space<hbm>>
          %dma_wait3A_45 = tpu.memref_slice %arg5[%add3A_36] : memref<800000xi32, #tpu.memory_space<hbm>> -> memref<400xi32, #tpu.memory_space<hbm>>
          tpu.wait_dma2 semaphore(%run_scoped3A : memref<!tpu.dma_semaphore, #tpu.memory_space<semaphore_mem>>) src(%dma_wait3A_45 : memref<400xi32, #tpu.memory_space<hbm>>) dst(%arg9 : memref<400xi32, #tpu.memory_space<vmem>>)
          tpu.yield
        }) : () -> ()
        %dma_start3A = arith.constant 0 : i32
        %dma_start3A_37 = arith.constant 0 : i32
        %dma_start3A_38 = tpu.memref_slice %arg3[%dma_start3A, %dma_start3A_37] : memref<50000x32xf32, #tpu.memory_space<hbm>> -> memref<50000x32xf32, #tpu.memory_space<hbm>>
        tpu.enqueue_indirect_dma source(%dma_start3A_38 : memref<50000x32xf32, #tpu.memory_space<hbm>>) target(%arg10 : memref<400x32xf32, #tpu.memory_space<vmem>>) offsets(%arg8 : memref<400xi32, #tpu.memory_space<vmem>>) semaphore(%arg12 : memref<!tpu.dma_semaphore, #tpu.memory_space<semaphore_mem>>)
        %dma_wait3A = arith.constant 0 : i32
        %dma_wait3A_39 = arith.constant 0 : i32
        %dma_wait3A_40 = tpu.memref_slice %arg3[%dma_wait3A, %dma_wait3A_39] : memref<50000x32xf32, #tpu.memory_space<hbm>> -> memref<50000x32xf32, #tpu.memory_space<hbm>>
        tpu.wait_indirect_dma semaphore(%arg12 : memref<!tpu.dma_semaphore, #tpu.memory_space<semaphore_mem>>) src(%dma_wait3A_40 : memref<50000x32xf32, #tpu.memory_space<hbm>>) dst(%arg10 : memref<400x32xf32, #tpu.memory_space<vmem>>)
        "tpu.region"() ({
          %run_scoped3A = tpu.sem_alloc : memref<!tpu.dma_semaphore, #tpu.memory_space<semaphore_mem>>
          %dma_start3A_42 = arith.constant 0 : i32
          %dma_start3A_43 = arith.constant 0 : i32
          %dma_start3A_44 = tpu.memref_slice %arg11[%dma_start3A_42, %dma_start3A_43] : memref<50048x32xf32, #tpu.memory_space<vmem_shared>> -> memref<50048x32xf32, #tpu.memory_space<vmem_shared>>
          tpu.enqueue_indirect_dma source(%arg10 : memref<400x32xf32, #tpu.memory_space<vmem>>) target(%dma_start3A_44 : memref<50048x32xf32, #tpu.memory_space<vmem_shared>>) offsets(%arg9 : memref<400xi32, #tpu.memory_space<vmem>>) semaphore(%run_scoped3A : memref<!tpu.dma_semaphore, #tpu.memory_space<semaphore_mem>>) {add = true}
          %dma_wait3A_45 = arith.constant 0 : i32
          %dma_wait3A_46 = arith.constant 0 : i32
          %dma_wait3A_47 = tpu.memref_slice %arg11[%dma_wait3A_45, %dma_wait3A_46] : memref<50048x32xf32, #tpu.memory_space<vmem_shared>> -> memref<50048x32xf32, #tpu.memory_space<vmem_shared>>
          tpu.wait_indirect_dma semaphore(%run_scoped3A : memref<!tpu.dma_semaphore, #tpu.memory_space<semaphore_mem>>) src(%arg10 : memref<400x32xf32, #tpu.memory_space<vmem>>) dst(%dma_wait3A_47 : memref<50048x32xf32, #tpu.memory_space<vmem_shared>>)
          tpu.yield
        }) : () -> ()
        %scan3A_41 = arith.constant 0 : i32
        scf.yield %scan3A_41 : i32
      }
      %scan3A_28 = arith.constant 125 : i32
      %barrier3A_29 = arith.constant 0 : index
      tpu.barrier barrier_id(%barrier3A_29)
      "tpu.region"() ({
        %run_scoped3A = tpu.sem_alloc : memref<!tpu.dma_semaphore, #tpu.memory_space<semaphore_mem>>
        %dma_start3A = arith.constant 0 : i32
        %dma_start3A_30 = tpu.memref_slice %arg7[%mul3A_6, %dma_start3A] : memref<50048x32xf32, #tpu.memory_space<hbm>> -> memref<3128x32xf32, #tpu.memory_space<hbm>>
        %dma_start3A_31 = arith.constant 0 : i32
        %dma_start3A_32 = tpu.memref_slice %arg11[%mul3A_6, %dma_start3A_31] : memref<50048x32xf32, #tpu.memory_space<vmem_shared>> -> memref<3128x32xf32, #tpu.memory_space<vmem_shared>>
        tpu.enqueue_dma source(%dma_start3A_32 : memref<3128x32xf32, #tpu.memory_space<vmem_shared>>) target(%dma_start3A_30 : memref<3128x32xf32, #tpu.memory_space<hbm>>) target_semaphore(%run_scoped3A : memref<!tpu.dma_semaphore, #tpu.memory_space<semaphore_mem>>)
        %dma_wait3A = arith.constant 0 : i32
        %dma_wait3A_33 = tpu.memref_slice %arg7[%mul3A_6, %dma_wait3A] : memref<50048x32xf32, #tpu.memory_space<hbm>> -> memref<3128x32xf32, #tpu.memory_space<hbm>>
        %dma_wait3A_34 = arith.constant 0 : i32
        %dma_wait3A_35 = tpu.memref_slice %arg11[%mul3A_6, %dma_wait3A_34] : memref<50048x32xf32, #tpu.memory_space<vmem_shared>> -> memref<3128x32xf32, #tpu.memory_space<vmem_shared>>
        tpu.wait_dma2 semaphore(%run_scoped3A : memref<!tpu.dma_semaphore, #tpu.memory_space<semaphore_mem>>) src(%dma_wait3A_35 : memref<3128x32xf32, #tpu.memory_space<vmem_shared>>) dst(%dma_wait3A_33 : memref<3128x32xf32, #tpu.memory_space<hbm>>)
        tpu.yield
      }) : () -> ()
    } else {
    }
    return
  }
}

#map = affine_map<(d0, d1) -> (0, 0)>
#map1 = affine_map<(d0, d1) -> (0)>
module attributes {stable_mosaic.version = 14 : i64} {
  func.func @_segsum_body(%arg0: i32, %arg1: i32, %arg2: memref<50000x32xf32, #tpu.memory_space<hbm>>, %arg3: memref<50000x32xf32, #tpu.memory_space<hbm>>, %arg4: memref<800000xi32, #tpu.memory_space<hbm>>, %arg5: memref<800000xi32, #tpu.memory_space<hbm>>, %arg6: memref<50048x32xf32, #tpu.memory_space<hbm>>, %arg7: memref<50048x32xf32, #tpu.memory_space<hbm>>, %arg8: memref<400xi32, #tpu.memory_space<vmem>>, %arg9: memref<400xi32, #tpu.memory_space<vmem>>, %arg10: memref<400x32xf32, #tpu.memory_space<vmem>>, %arg11: memref<50048x32xf32, #tpu.memory_space<vmem_shared>>, %arg12: memref<!tpu.dma_semaphore, #tpu.memory_space<semaphore_mem>>) attributes {dimension_semantics = [#tpu.dimension_semantics<core_parallel>, #tpu.dimension_semantics<subcore_parallel>], iteration_bounds = array<i64: 2, 16>, scalar_prefetch = 0 : i64, scratch_operands = 5 : i64, tpu.core_type = #tpu.core_type<sc_vector_subcore>, window_params = [{transform_indices = #map}, {transform_indices = #map}, {transform_indices = #map1}, {transform_indices = #map1}, {transform_indices = #map}, {transform_indices = #map}]} {
    %scan3A = arith.constant 0 : i32
    %scan3A_0 = arith.constant 0 : i32
    %scan3A_1 = arith.constant 400 : i32
    %scan3A_2 = arith.addi %scan3A_0, %scan3A_1 : i32
    %scan3A_3 = arith.constant 1 : i32
    %scan3A_4 = scf.for %scan3A_22 = %scan3A_0 to %scan3A_2 step %scan3A_3 iter_args(%scan3A_23 = %scan3A) -> (i32)  : i32 {
      %broadcast_in_dim3A = arith.constant 0.000000e+00 : f32
      %broadcast_in_dim3A_24 = vector.broadcast %broadcast_in_dim3A : f32 to vector<16xf32>
      %swap3A = arith.index_cast %scan3A_22 : i32 to index
      %swap3A_25 = arith.constant 0 : index
      %swap3A_26 = tpu.vector_load %arg10[%swap3A, %swap3A_25] {strides = array<i32>} : memref<400x32xf32, #tpu.memory_space<vmem>>, vector<1x16xf32>,
      %swap3A_27 = vector.shape_cast %swap3A_26 : vector<1x16xf32> to vector<16xf32>
      %swap3A_28 = vector.shape_cast %broadcast_in_dim3A_24 : vector<16xf32> to vector<1x16xf32>
      tpu.vector_store %arg10[%swap3A, %swap3A_25], %swap3A_28 {strides = array<i32>} : memref<400x32xf32, #tpu.memory_space<vmem>>, vector<1x16xf32>,
      %broadcast_in_dim3A_29 = arith.constant 0.000000e+00 : f32
      %broadcast_in_dim3A_30 = vector.broadcast %broadcast_in_dim3A_29 : f32 to vector<16xf32>
      %swap3A_31 = arith.index_cast %scan3A_22 : i32 to index
      %swap3A_32 = arith.constant 16 : index
      %swap3A_33 = tpu.vector_load %arg10[%swap3A_31, %swap3A_32] {strides = array<i32>} : memref<400x32xf32, #tpu.memory_space<vmem>>, vector<1x16xf32>,
      %swap3A_34 = vector.shape_cast %swap3A_33 : vector<1x16xf32> to vector<16xf32>
      %swap3A_35 = vector.shape_cast %broadcast_in_dim3A_30 : vector<16xf32> to vector<1x16xf32>
      tpu.vector_store %arg10[%swap3A_31, %swap3A_32], %swap3A_35 {strides = array<i32>} : memref<400x32xf32, #tpu.memory_space<vmem>>, vector<1x16xf32>,
      %scan3A_36 = arith.constant 0 : i32
      scf.yield %scan3A_36 : i32
    }
    %scan3A_5 = arith.constant 400 : i32
    %mul3A = arith.constant 3128 : i32
    %mul3A_6 = arith.muli %arg1, %mul3A : i32
    %scan3A_7 = arith.constant 0 : i32
    %scan3A_8 = arith.constant 0 : i32
    %scan3A_9 = arith.constant 7 : i32
    %scan3A_10 = arith.addi %scan3A_8, %scan3A_9 : i32
    %scan3A_11 = arith.constant 1 : i32
    %scan3A_12 = scf.for %scan3A_22 = %scan3A_8 to %scan3A_10 step %scan3A_11 iter_args(%scan3A_23 = %scan3A_7) -> (i32)  : i32 {
      %mul3A_24 = arith.constant 400 : i32
      %mul3A_25 = arith.muli %scan3A_22, %mul3A_24 : i32
      %add3A_26 = arith.addi %mul3A_6, %mul3A_25 : i32
      "tpu.region"() ({
        %run_scoped3A = tpu.sem_alloc : memref<!tpu.dma_semaphore, #tpu.memory_space<semaphore_mem>>
        %dma_start3A = arith.constant 0 : i32
        %dma_start3A_28 = tpu.memref_slice %arg11[%add3A_26, %dma_start3A] : memref<50048x32xf32, #tpu.memory_space<vmem_shared>> -> memref<400x32xf32, #tpu.memory_space<vmem_shared>>
        %dma_start3A_29 = arith.constant 0 : i32
        %dma_start3A_30 = tpu.memref_slice %arg11[%add3A_26, %dma_start3A_29] : memref<50048x32xf32, #tpu.memory_space<vmem_shared>> -> memref<400x32xf32, #tpu.memory_space<vmem_shared>>
        tpu.enqueue_dma source(%arg10 : memref<400x32xf32, #tpu.memory_space<vmem>>) target(%dma_start3A_30 : memref<400x32xf32, #tpu.memory_space<vmem_shared>>) target_semaphore(%run_scoped3A : memref<!tpu.dma_semaphore, #tpu.memory_space<semaphore_mem>>)
        %dma_wait3A = arith.constant 0 : i32
        %dma_wait3A_31 = tpu.memref_slice %arg11[%add3A_26, %dma_wait3A] : memref<50048x32xf32, #tpu.memory_space<vmem_shared>> -> memref<400x32xf32, #tpu.memory_space<vmem_shared>>
        %dma_wait3A_32 = arith.constant 0 : i32
        %dma_wait3A_33 = tpu.memref_slice %arg11[%add3A_26, %dma_wait3A_32] : memref<50048x32xf32, #tpu.memory_space<vmem_shared>> -> memref<400x32xf32, #tpu.memory_space<vmem_shared>>
        tpu.wait_dma2 semaphore(%run_scoped3A : memref<!tpu.dma_semaphore, #tpu.memory_space<semaphore_mem>>) src(%arg10 : memref<400x32xf32, #tpu.memory_space<vmem>>) dst(%dma_wait3A_33 : memref<400x32xf32, #tpu.memory_space<vmem_shared>>)
        tpu.yield
      }) : () -> ()
      %scan3A_27 = arith.constant 0 : i32
      scf.yield %scan3A_27 : i32
    }
    %scan3A_13 = arith.constant 7 : i32
    %add3A = arith.constant 2800 : i32
    %add3A_14 = arith.addi %mul3A_6, %add3A : i32
    "tpu.region"() ({
      %run_scoped3A = tpu.sem_alloc : memref<!tpu.dma_semaphore, #tpu.memory_space<semaphore_mem>>
      %dma_start3A = arith.constant 0 : i32
      %dma_start3A_22 = arith.constant 0 : i32
      %dma_start3A_23 = tpu.memref_slice %arg10[%dma_start3A, %dma_start3A_22] : memref<400x32xf32, #tpu.memory_space<vmem>> -> memref<328x32xf32, #tpu.memory_space<vmem>>
      %dma_start3A_24 = arith.constant 0 : i32
      %dma_start3A_25 = tpu.memref_slice %arg11[%add3A_14, %dma_start3A_24] : memref<50048x32xf32, #tpu.memory_space<vmem_shared>> -> memref<328x32xf32, #tpu.memory_space<vmem_shared>>
      %dma_start3A_26 = arith.constant 0 : i32
      %dma_start3A_27 = tpu.memref_slice %arg11[%add3A_14, %dma_start3A_26] : memref<50048x32xf32, #tpu.memory_space<vmem_shared>> -> memref<328x32xf32, #tpu.memory_space<vmem_shared>>
      %dma_start3A_28 = arith.constant 0 : i32
      %dma_start3A_29 = arith.constant 0 : i32
      %dma_start3A_30 = tpu.memref_slice %arg10[%dma_start3A_28, %dma_start3A_29] : memref<400x32xf32, #tpu.memory_space<vmem>> -> memref<328x32xf32, #tpu.memory_space<vmem>>
      tpu.enqueue_dma source(%dma_start3A_30 : memref<328x32xf32, #tpu.memory_space<vmem>>) target(%dma_start3A_27 : memref<328x32xf32, #tpu.memory_space<vmem_shared>>) target_semaphore(%run_scoped3A : memref<!tpu.dma_semaphore, #tpu.memory_space<semaphore_mem>>)
      %dma_wait3A = arith.constant 0 : i32
      %dma_wait3A_31 = arith.constant 0 : i32
      %dma_wait3A_32 = tpu.memref_slice %arg10[%dma_wait3A, %dma_wait3A_31] : memref<400x32xf32, #tpu.memory_space<vmem>> -> memref<328x32xf32, #tpu.memory_space<vmem>>
      %dma_wait3A_33 = arith.constant 0 : i32
      %dma_wait3A_34 = tpu.memref_slice %arg11[%add3A_14, %dma_wait3A_33] : memref<50048x32xf32, #tpu.memory_space<vmem_shared>> -> memref<328x32xf32, #tpu.memory_space<vmem_shared>>
      %dma_wait3A_35 = arith.constant 0 : i32
      %dma_wait3A_36 = tpu.memref_slice %arg11[%add3A_14, %dma_wait3A_35] : memref<50048x32xf32, #tpu.memory_space<vmem_shared>> -> memref<328x32xf32, #tpu.memory_space<vmem_shared>>
      %dma_wait3A_37 = arith.constant 0 : i32
      %dma_wait3A_38 = arith.constant 0 : i32
      %dma_wait3A_39 = tpu.memref_slice %arg10[%dma_wait3A_37, %dma_wait3A_38] : memref<400x32xf32, #tpu.memory_space<vmem>> -> memref<328x32xf32, #tpu.memory_space<vmem>>
      tpu.wait_dma2 semaphore(%run_scoped3A : memref<!tpu.dma_semaphore, #tpu.memory_space<semaphore_mem>>) src(%dma_wait3A_39 : memref<328x32xf32, #tpu.memory_space<vmem>>) dst(%dma_wait3A_36 : memref<328x32xf32, #tpu.memory_space<vmem_shared>>)
      tpu.yield
    }) : () -> ()
    %barrier3A = arith.constant 0 : index
    tpu.barrier barrier_id(%barrier3A)
    %eq3A = arith.constant 0 : i32
    %eq3A_15 = arith.cmpi eq, %arg0, %eq3A : i32
    %convert_element_type3A = arith.extui %eq3A_15 : i1 to i32
    %cond3A = arith.constant 0 : i32
    %cond3A_16 = arith.cmpi ne, %convert_element_type3A, %cond3A : i32
    scf.if %cond3A_16 {
      %scan3A_22 = arith.constant 0 : i32
      %scan3A_23 = arith.constant 0 : i32
      %scan3A_24 = arith.constant 125 : i32
      %scan3A_25 = arith.addi %scan3A_23, %scan3A_24 : i32
      %scan3A_26 = arith.constant 1 : i32
      %scan3A_27 = scf.for %scan3A_30 = %scan3A_23 to %scan3A_25 step %scan3A_26 iter_args(%scan3A_31 = %scan3A_22) -> (i32)  : i32 {
        %mul3A_32 = arith.constant 50000 : i32
        %mul3A_33 = arith.muli %arg1, %mul3A_32 : i32
        %mul3A_34 = arith.constant 400 : i32
        %mul3A_35 = arith.muli %scan3A_30, %mul3A_34 : i32
        %add3A_36 = arith.addi %mul3A_33, %mul3A_35 : i32
        "tpu.region"() ({
          %run_scoped3A = tpu.sem_alloc : memref<!tpu.dma_semaphore, #tpu.memory_space<semaphore_mem>>
          %dma_start3A_42 = tpu.memref_slice %arg4[%add3A_36] : memref<800000xi32, #tpu.memory_space<hbm>> -> memref<400xi32, #tpu.memory_space<hbm>>
          %dma_start3A_43 = tpu.memref_slice %arg4[%add3A_36] : memref<800000xi32, #tpu.memory_space<hbm>> -> memref<400xi32, #tpu.memory_space<hbm>>
          tpu.enqueue_dma source(%dma_start3A_43 : memref<400xi32, #tpu.memory_space<hbm>>) target(%arg8 : memref<400xi32, #tpu.memory_space<vmem>>) target_semaphore(%run_scoped3A : memref<!tpu.dma_semaphore, #tpu.memory_space<semaphore_mem>>)
          %dma_wait3A_44 = tpu.memref_slice %arg4[%add3A_36] : memref<800000xi32, #tpu.memory_space<hbm>> -> memref<400xi32, #tpu.memory_space<hbm>>
          %dma_wait3A_45 = tpu.memref_slice %arg4[%add3A_36] : memref<800000xi32, #tpu.memory_space<hbm>> -> memref<400xi32, #tpu.memory_space<hbm>>
          tpu.wait_dma2 semaphore(%run_scoped3A : memref<!tpu.dma_semaphore, #tpu.memory_space<semaphore_mem>>) src(%dma_wait3A_45 : memref<400xi32, #tpu.memory_space<hbm>>) dst(%arg8 : memref<400xi32, #tpu.memory_space<vmem>>)
          tpu.yield
        }) : () -> ()
        "tpu.region"() ({
          %run_scoped3A = tpu.sem_alloc : memref<!tpu.dma_semaphore, #tpu.memory_space<semaphore_mem>>
          %dma_start3A_42 = tpu.memref_slice %arg5[%add3A_36] : memref<800000xi32, #tpu.memory_space<hbm>> -> memref<400xi32, #tpu.memory_space<hbm>>
          %dma_start3A_43 = tpu.memref_slice %arg5[%add3A_36] : memref<800000xi32, #tpu.memory_space<hbm>> -> memref<400xi32, #tpu.memory_space<hbm>>
          tpu.enqueue_dma source(%dma_start3A_43 : memref<400xi32, #tpu.memory_space<hbm>>) target(%arg9 : memref<400xi32, #tpu.memory_space<vmem>>) target_semaphore(%run_scoped3A : memref<!tpu.dma_semaphore, #tpu.memory_space<semaphore_mem>>)
          %dma_wait3A_44 = tpu.memref_slice %arg5[%add3A_36] : memref<800000xi32, #tpu.memory_space<hbm>> -> memref<400xi32, #tpu.memory_space<hbm>>
          %dma_wait3A_45 = tpu.memref_slice %arg5[%add3A_36] : memref<800000xi32, #tpu.memory_space<hbm>> -> memref<400xi32, #tpu.memory_space<hbm>>
          tpu.wait_dma2 semaphore(%run_scoped3A : memref<!tpu.dma_semaphore, #tpu.memory_space<semaphore_mem>>) src(%dma_wait3A_45 : memref<400xi32, #tpu.memory_space<hbm>>) dst(%arg9 : memref<400xi32, #tpu.memory_space<vmem>>)
          tpu.yield
        }) : () -> ()
        %dma_start3A = arith.constant 0 : i32
        %dma_start3A_37 = arith.constant 0 : i32
        %dma_start3A_38 = tpu.memref_slice %arg2[%dma_start3A, %dma_start3A_37] : memref<50000x32xf32, #tpu.memory_space<hbm>> -> memref<50000x32xf32, #tpu.memory_space<hbm>>
        tpu.enqueue_indirect_dma source(%dma_start3A_38 : memref<50000x32xf32, #tpu.memory_space<hbm>>) target(%arg10 : memref<400x32xf32, #tpu.memory_space<vmem>>) offsets(%arg8 : memref<400xi32, #tpu.memory_space<vmem>>) semaphore(%arg12 : memref<!tpu.dma_semaphore, #tpu.memory_space<semaphore_mem>>)
        %dma_wait3A = arith.constant 0 : i32
        %dma_wait3A_39 = arith.constant 0 : i32
        %dma_wait3A_40 = tpu.memref_slice %arg2[%dma_wait3A, %dma_wait3A_39] : memref<50000x32xf32, #tpu.memory_space<hbm>> -> memref<50000x32xf32, #tpu.memory_space<hbm>>
        tpu.wait_indirect_dma semaphore(%arg12 : memref<!tpu.dma_semaphore, #tpu.memory_space<semaphore_mem>>) src(%dma_wait3A_40 : memref<50000x32xf32, #tpu.memory_space<hbm>>) dst(%arg10 : memref<400x32xf32, #tpu.memory_space<vmem>>)
        "tpu.region"() ({
          %run_scoped3A = tpu.sem_alloc : memref<!tpu.dma_semaphore, #tpu.memory_space<semaphore_mem>>
          %dma_start3A_42 = arith.constant 0 : i32
          %dma_start3A_43 = arith.constant 0 : i32
          %dma_start3A_44 = tpu.memref_slice %arg11[%dma_start3A_42, %dma_start3A_43] : memref<50048x32xf32, #tpu.memory_space<vmem_shared>> -> memref<50048x32xf32, #tpu.memory_space<vmem_shared>>
          tpu.enqueue_indirect_dma source(%arg10 : memref<400x32xf32, #tpu.memory_space<vmem>>) target(%dma_start3A_44 : memref<50048x32xf32, #tpu.memory_space<vmem_shared>>) offsets(%arg9 : memref<400xi32, #tpu.memory_space<vmem>>) semaphore(%run_scoped3A : memref<!tpu.dma_semaphore, #tpu.memory_space<semaphore_mem>>) {add = true}
          %dma_wait3A_45 = arith.constant 0 : i32
          %dma_wait3A_46 = arith.constant 0 : i32
          %dma_wait3A_47 = tpu.memref_slice %arg11[%dma_wait3A_45, %dma_wait3A_46] : memref<50048x32xf32, #tpu.memory_space<vmem_shared>> -> memref<50048x32xf32, #tpu.memory_space<vmem_shared>>
          tpu.wait_indirect_dma semaphore(%run_scoped3A : memref<!tpu.dma_semaphore, #tpu.memory_space<semaphore_mem>>) src(%arg10 : memref<400x32xf32, #tpu.memory_space<vmem>>) dst(%dma_wait3A_47 : memref<50048x32xf32, #tpu.memory_space<vmem_shared>>)
          tpu.yield
        }) : () -> ()
        %scan3A_41 = arith.constant 0 : i32
        scf.yield %scan3A_41 : i32
      }
      %scan3A_28 = arith.constant 125 : i32
      %barrier3A_29 = arith.constant 0 : index
      tpu.barrier barrier_id(%barrier3A_29)
      "tpu.region"() ({
        %run_scoped3A = tpu.sem_alloc : memref<!tpu.dma_semaphore, #tpu.memory_space<semaphore_mem>>
        %dma_start3A = arith.constant 0 : i32
        %dma_start3A_30 = tpu.memref_slice %arg6[%mul3A_6, %dma_start3A] : memref<50048x32xf32, #tpu.memory_space<hbm>> -> memref<3128x32xf32, #tpu.memory_space<hbm>>
        %dma_start3A_31 = arith.constant 0 : i32
        %dma_start3A_32 = tpu.memref_slice %arg11[%mul3A_6, %dma_start3A_31] : memref<50048x32xf32, #tpu.memory_space<vmem_shared>> -> memref<3128x32xf32, #tpu.memory_space<vmem_shared>>
        tpu.enqueue_dma source(%dma_start3A_32 : memref<3128x32xf32, #tpu.memory_space<vmem_shared>>) target(%dma_start3A_30 : memref<3128x32xf32, #tpu.memory_space<hbm>>) target_semaphore(%run_scoped3A : memref<!tpu.dma_semaphore, #tpu.memory_space<semaphore_mem>>)
        %dma_wait3A = arith.constant 0 : i32
        %dma_wait3A_33 = tpu.memref_slice %arg6[%mul3A_6, %dma_wait3A] : memref<50048x32xf32, #tpu.memory_space<hbm>> -> memref<3128x32xf32, #tpu.memory_space<hbm>>
        %dma_wait3A_34 = arith.constant 0 : i32
        %dma_wait3A_35 = tpu.memref_slice %arg11[%mul3A_6, %dma_wait3A_34] : memref<50048x32xf32, #tpu.memory_space<vmem_shared>> -> memref<3128x32xf32, #tpu.memory_space<vmem_shared>>
        tpu.wait_dma2 semaphore(%run_scoped3A : memref<!tpu.dma_semaphore, #tpu.memory_space<semaphore_mem>>) src(%dma_wait3A_35 : memref<3128x32xf32, #tpu.memory_space<vmem_shared>>) dst(%dma_wait3A_33 : memref<3128x32xf32, #tpu.memory_space<hbm>>)
        tpu.yield
      }) : () -> ()
    } else {
    }
    %eq3A_17 = arith.constant 1 : i32
    %eq3A_18 = arith.cmpi eq, %arg0, %eq3A_17 : i32
    %convert_element_type3A_19 = arith.extui %eq3A_18 : i1 to i32
    %cond3A_20 = arith.constant 0 : i32
    %cond3A_21 = arith.cmpi ne, %convert_element_type3A_19, %cond3A_20 : i32
    scf.if %cond3A_21 {
      %scan3A_22 = arith.constant 0 : i32
      %scan3A_23 = arith.constant 0 : i32
      %scan3A_24 = arith.constant 125 : i32
      %scan3A_25 = arith.addi %scan3A_23, %scan3A_24 : i32
      %scan3A_26 = arith.constant 1 : i32
      %scan3A_27 = scf.for %scan3A_30 = %scan3A_23 to %scan3A_25 step %scan3A_26 iter_args(%scan3A_31 = %scan3A_22) -> (i32)  : i32 {
        %mul3A_32 = arith.constant 50000 : i32
        %mul3A_33 = arith.muli %arg1, %mul3A_32 : i32
        %mul3A_34 = arith.constant 400 : i32
        %mul3A_35 = arith.muli %scan3A_30, %mul3A_34 : i32
        %add3A_36 = arith.addi %mul3A_33, %mul3A_35 : i32
        "tpu.region"() ({
          %run_scoped3A = tpu.sem_alloc : memref<!tpu.dma_semaphore, #tpu.memory_space<semaphore_mem>>
          %dma_start3A_42 = tpu.memref_slice %arg4[%add3A_36] : memref<800000xi32, #tpu.memory_space<hbm>> -> memref<400xi32, #tpu.memory_space<hbm>>
          %dma_start3A_43 = tpu.memref_slice %arg4[%add3A_36] : memref<800000xi32, #tpu.memory_space<hbm>> -> memref<400xi32, #tpu.memory_space<hbm>>
          tpu.enqueue_dma source(%dma_start3A_43 : memref<400xi32, #tpu.memory_space<hbm>>) target(%arg8 : memref<400xi32, #tpu.memory_space<vmem>>) target_semaphore(%run_scoped3A : memref<!tpu.dma_semaphore, #tpu.memory_space<semaphore_mem>>)
          %dma_wait3A_44 = tpu.memref_slice %arg4[%add3A_36] : memref<800000xi32, #tpu.memory_space<hbm>> -> memref<400xi32, #tpu.memory_space<hbm>>
          %dma_wait3A_45 = tpu.memref_slice %arg4[%add3A_36] : memref<800000xi32, #tpu.memory_space<hbm>> -> memref<400xi32, #tpu.memory_space<hbm>>
          tpu.wait_dma2 semaphore(%run_scoped3A : memref<!tpu.dma_semaphore, #tpu.memory_space<semaphore_mem>>) src(%dma_wait3A_45 : memref<400xi32, #tpu.memory_space<hbm>>) dst(%arg8 : memref<400xi32, #tpu.memory_space<vmem>>)
          tpu.yield
        }) : () -> ()
        "tpu.region"() ({
          %run_scoped3A = tpu.sem_alloc : memref<!tpu.dma_semaphore, #tpu.memory_space<semaphore_mem>>
          %dma_start3A_42 = tpu.memref_slice %arg5[%add3A_36] : memref<800000xi32, #tpu.memory_space<hbm>> -> memref<400xi32, #tpu.memory_space<hbm>>
          %dma_start3A_43 = tpu.memref_slice %arg5[%add3A_36] : memref<800000xi32, #tpu.memory_space<hbm>> -> memref<400xi32, #tpu.memory_space<hbm>>
          tpu.enqueue_dma source(%dma_start3A_43 : memref<400xi32, #tpu.memory_space<hbm>>) target(%arg9 : memref<400xi32, #tpu.memory_space<vmem>>) target_semaphore(%run_scoped3A : memref<!tpu.dma_semaphore, #tpu.memory_space<semaphore_mem>>)
          %dma_wait3A_44 = tpu.memref_slice %arg5[%add3A_36] : memref<800000xi32, #tpu.memory_space<hbm>> -> memref<400xi32, #tpu.memory_space<hbm>>
          %dma_wait3A_45 = tpu.memref_slice %arg5[%add3A_36] : memref<800000xi32, #tpu.memory_space<hbm>> -> memref<400xi32, #tpu.memory_space<hbm>>
          tpu.wait_dma2 semaphore(%run_scoped3A : memref<!tpu.dma_semaphore, #tpu.memory_space<semaphore_mem>>) src(%dma_wait3A_45 : memref<400xi32, #tpu.memory_space<hbm>>) dst(%arg9 : memref<400xi32, #tpu.memory_space<vmem>>)
          tpu.yield
        }) : () -> ()
        %dma_start3A = arith.constant 0 : i32
        %dma_start3A_37 = arith.constant 0 : i32
        %dma_start3A_38 = tpu.memref_slice %arg3[%dma_start3A, %dma_start3A_37] : memref<50000x32xf32, #tpu.memory_space<hbm>> -> memref<50000x32xf32, #tpu.memory_space<hbm>>
        tpu.enqueue_indirect_dma source(%dma_start3A_38 : memref<50000x32xf32, #tpu.memory_space<hbm>>) target(%arg10 : memref<400x32xf32, #tpu.memory_space<vmem>>) offsets(%arg8 : memref<400xi32, #tpu.memory_space<vmem>>) semaphore(%arg12 : memref<!tpu.dma_semaphore, #tpu.memory_space<semaphore_mem>>)
        %dma_wait3A = arith.constant 0 : i32
        %dma_wait3A_39 = arith.constant 0 : i32
        %dma_wait3A_40 = tpu.memref_slice %arg3[%dma_wait3A, %dma_wait3A_39] : memref<50000x32xf32, #tpu.memory_space<hbm>> -> memref<50000x32xf32, #tpu.memory_space<hbm>>
        tpu.wait_indirect_dma semaphore(%arg12 : memref<!tpu.dma_semaphore, #tpu.memory_space<semaphore_mem>>) src(%dma_wait3A_40 : memref<50000x32xf32, #tpu.memory_space<hbm>>) dst(%arg10 : memref<400x32xf32, #tpu.memory_space<vmem>>)
        "tpu.region"() ({
          %run_scoped3A = tpu.sem_alloc : memref<!tpu.dma_semaphore, #tpu.memory_space<semaphore_mem>>
          %dma_start3A_42 = arith.constant 0 : i32
          %dma_start3A_43 = arith.constant 0 : i32
          %dma_start3A_44 = tpu.memref_slice %arg11[%dma_start3A_42, %dma_start3A_43] : memref<50048x32xf32, #tpu.memory_space<vmem_shared>> -> memref<50048x32xf32, #tpu.memory_space<vmem_shared>>
          tpu.enqueue_indirect_dma source(%arg10 : memref<400x32xf32, #tpu.memory_space<vmem>>) target(%dma_start3A_44 : memref<50048x32xf32, #tpu.memory_space<vmem_shared>>) offsets(%arg9 : memref<400xi32, #tpu.memory_space<vmem>>) semaphore(%run_scoped3A : memref<!tpu.dma_semaphore, #tpu.memory_space<semaphore_mem>>) {add = true}
          %dma_wait3A_45 = arith.constant 0 : i32
          %dma_wait3A_46 = arith.constant 0 : i32
          %dma_wait3A_47 = tpu.memref_slice %arg11[%dma_wait3A_45, %dma_wait3A_46] : memref<50048x32xf32, #tpu.memory_space<vmem_shared>> -> memref<50048x32xf32, #tpu.memory_space<vmem_shared>>
          tpu.wait_indirect_dma semaphore(%run_scoped3A : memref<!tpu.dma_semaphore, #tpu.memory_space<semaphore_mem>>) src(%arg10 : memref<400x32xf32, #tpu.memory_space<vmem>>) dst(%dma_wait3A_47 : memref<50048x32xf32, #tpu.memory_space<vmem_shared>>)
          tpu.yield
        }) : () -> ()
        %scan3A_41 = arith.constant 0 : i32
        scf.yield %scan3A_41 : i32
      }
      %scan3A_28 = arith.constant 125 : i32
      %barrier3A_29 = arith.constant 0 : index
      tpu.barrier barrier_id(%barrier3A_29)
      "tpu.region"() ({
        %run_scoped3A = tpu.sem_alloc : memref<!tpu.dma_semaphore, #tpu.memory_space<semaphore_mem>>
        %dma_start3A = arith.constant 0 : i32
        %dma_start3A_30 = tpu.memref_slice %arg7[%mul3A_6, %dma_start3A] : memref<50048x32xf32, #tpu.memory_space<hbm>> -> memref<3128x32xf32, #tpu.memory_space<hbm>>
        %dma_start3A_31 = arith.constant 0 : i32
        %dma_start3A_32 = tpu.memref_slice %arg11[%mul3A_6, %dma_start3A_31] : memref<50048x32xf32, #tpu.memory_space<vmem_shared>> -> memref<3128x32xf32, #tpu.memory_space<vmem_shared>>
        tpu.enqueue_dma source(%dma_start3A_32 : memref<3128x32xf32, #tpu.memory_space<vmem_shared>>) target(%dma_start3A_30 : memref<3128x32xf32, #tpu.memory_space<hbm>>) target_semaphore(%run_scoped3A : memref<!tpu.dma_semaphore, #tpu.memory_space<semaphore_mem>>)
        %dma_wait3A = arith.constant 0 : i32
        %dma_wait3A_33 = tpu.memref_slice %arg7[%mul3A_6, %dma_wait3A] : memref<50048x32xf32, #tpu.memory_space<hbm>> -> memref<3128x32xf32, #tpu.memory_space<hbm>>
        %dma_wait3A_34 = arith.constant 0 : i32
        %dma_wait3A_35 = tpu.memref_slice %arg11[%mul3A_6, %dma_wait3A_34] : memref<50048x32xf32, #tpu.memory_space<vmem_shared>> -> memref<3128x32xf32, #tpu.memory_space<vmem_shared>>
        tpu.wait_dma2 semaphore(%run_scoped3A : memref<!tpu.dma_semaphore, #tpu.memory_space<semaphore_mem>>) src(%dma_wait3A_35 : memref<3128x32xf32, #tpu.memory_space<vmem_shared>>) dst(%dma_wait3A_33 : memref<3128x32xf32, #tpu.memory_space<hbm>>)
        tpu.yield
      }) : () -> ()
    } else {
    }
    return
  }
}

module attributes {stable_mosaic.version = 14 : i64} {
  func.func @_embed_body(%arg0: i32, %arg1: memref<2000x256xf32, #tpu.memory_space<vmem>>, %arg2: memref<2000x16xf32, #tpu.memory_space<vmem>>, %arg3: memref<256x32xf32, #tpu.memory_space<vmem>>, %arg4: memref<1x32xf32, #tpu.memory_space<vmem>>, %arg5: memref<16x32xf32, #tpu.memory_space<vmem>>, %arg6: memref<1x32xf32, #tpu.memory_space<vmem>>, %arg7: memref<2000x32xf32, #tpu.memory_space<vmem>>, %arg8: memref<2000x32xf32, #tpu.memory_space<vmem>>) attributes {dimension_semantics = [#tpu.dimension_semantics<arbitrary>], iteration_bounds = array<i64: 25>, scalar_prefetch = 0 : i64, scratch_operands = 0 : i64, tpu.core_type = #tpu.core_type<tc>, window_params = [{transform_indices = @transform_0, window_bounds = array<i64: 2000, 256>}, {transform_indices = @transform_1, window_bounds = array<i64: 2000, 16>}, {pipeline_mode = #tpu.pipeline_mode<synchronous>, transform_indices = @transform_2, window_bounds = array<i64: 256, 32>}, {pipeline_mode = #tpu.pipeline_mode<synchronous>, transform_indices = @transform_3, window_bounds = array<i64: 1, 32>}, {pipeline_mode = #tpu.pipeline_mode<synchronous>, transform_indices = @transform_4, window_bounds = array<i64: 16, 32>}, {pipeline_mode = #tpu.pipeline_mode<synchronous>, transform_indices = @transform_5, window_bounds = array<i64: 1, 32>}, {transform_indices = @transform_6, window_bounds = array<i64: 2000, 32>}, {transform_indices = @transform_7, window_bounds = array<i64: 2000, 32>}]} {
    %get3A = arith.constant 0 : index
    %get3A_0 = arith.constant 0 : index
    %get3A_1 = vector.load %arg1[%get3A, %get3A_0] : memref<2000x256xf32, #tpu.memory_space<vmem>>, vector<2000x256xf32>
    %get3A_2 = arith.constant 0 : index
    %get3A_3 = arith.constant 0 : index
    %get3A_4 = vector.load %arg3[%get3A_2, %get3A_3] : memref<256x32xf32, #tpu.memory_space<vmem>>, vector<256x32xf32>
    %dot_general3A = arith.constant dense<0.000000e+00> : vector<2000x32xf32>
    %dot_general3A_5 = tpu.matmul %get3A_1, %get3A_4, %dot_general3A {dimension_numbers = #tpu.dot_dimension_numbers<[1], [0], [0], [1], [0, 0, 1, 1], [], []>, transpose_lhs_hint = false} : vector<2000x256xf32>, vector<256x32xf32>, vector<2000x32xf32> -> vector<2000x32xf32>
    %get3A_6 = arith.constant 0 : index
    %get3A_7 = arith.constant 0 : index
    %get3A_8 = vector.load %arg4[%get3A_6, %get3A_7] : memref<1x32xf32, #tpu.memory_space<vmem>>, vector<1x32xf32>
    %add3A = vector.broadcast %get3A_8 : vector<1x32xf32> to vector<2000x32xf32>
    %add3A_9 = arith.addf %dot_general3A_5, %add3A : vector<2000x32xf32>
    %swap3A = arith.constant 0 : index
    %swap3A_10 = arith.constant 0 : index
    %swap3A_11 = vector.load %arg7[%swap3A, %swap3A_10] : memref<2000x32xf32, #tpu.memory_space<vmem>>, vector<2000x32xf32>
    tpu.vector_store %arg7[%swap3A, %swap3A_10], %add3A_9 {strides = array<i32>} : memref<2000x32xf32, #tpu.memory_space<vmem>>, vector<2000x32xf32>,
    %get3A_12 = arith.constant 0 : index
    %get3A_13 = arith.constant 0 : index
    %get3A_14 = vector.load %arg2[%get3A_12, %get3A_13] : memref<2000x16xf32, #tpu.memory_space<vmem>>, vector<2000x16xf32>
    %get3A_15 = arith.constant 0 : index
    %get3A_16 = arith.constant 0 : index
    %get3A_17 = vector.load %arg5[%get3A_15, %get3A_16] : memref<16x32xf32, #tpu.memory_space<vmem>>, vector<16x32xf32>
    %dot_general3A_18 = arith.constant dense<0.000000e+00> : vector<2000x32xf32>
    %dot_general3A_19 = tpu.matmul %get3A_14, %get3A_17, %dot_general3A_18 {dimension_numbers = #tpu.dot_dimension_numbers<[1], [0], [0], [1], [0, 0, 1, 1], [], []>, transpose_lhs_hint = false} : vector<2000x16xf32>, vector<16x32xf32>, vector<2000x32xf32> -> vector<2000x32xf32>
    %get3A_20 = arith.constant 0 : index
    %get3A_21 = arith.constant 0 : index
    %get3A_22 = vector.load %arg6[%get3A_20, %get3A_21] : memref<1x32xf32, #tpu.memory_space<vmem>>, vector<1x32xf32>
    %add3A_23 = vector.broadcast %get3A_22 : vector<1x32xf32> to vector<2000x32xf32>
    %add3A_24 = arith.addf %dot_general3A_19, %add3A_23 : vector<2000x32xf32>
    %swap3A_25 = arith.constant 0 : index
    %swap3A_26 = arith.constant 0 : index
    %swap3A_27 = vector.load %arg8[%swap3A_25, %swap3A_26] : memref<2000x32xf32, #tpu.memory_space<vmem>>, vector<2000x32xf32>
    tpu.vector_store %arg8[%swap3A_25, %swap3A_26], %add3A_24 {strides = array<i32>} : memref<2000x32xf32, #tpu.memory_space<vmem>>, vector<2000x32xf32>,
    return
  }
  func.func @transform_0(%arg0: i32) -> (i32, i32) {
    %c0_i32 = arith.constant 0 : i32
    %c0_i32_0 = arith.constant 0 : i32
    return %arg0, %c0_i32 : i32, i32
  }
  func.func @transform_1(%arg0: i32) -> (i32, i32) {
    %c0_i32 = arith.constant 0 : i32
    %c0_i32_0 = arith.constant 0 : i32
    return %arg0, %c0_i32 : i32, i32
  }
  func.func @transform_2(%arg0: i32) -> (i32, i32) {
    %c0_i32 = arith.constant 0 : i32
    %c0_i32_0 = arith.constant 0 : i32
    %c0_i32_1 = arith.constant 0 : i32
    return %c0_i32, %c0_i32_0 : i32, i32
  }
  func.func @transform_3(%arg0: i32) -> (i32, i32) {
    %c0_i32 = arith.constant 0 : i32
    %c0_i32_0 = arith.constant 0 : i32
    %c0_i32_1 = arith.constant 0 : i32
    return %c0_i32, %c0_i32_0 : i32, i32
  }
  func.func @transform_4(%arg0: i32) -> (i32, i32) {
    %c0_i32 = arith.constant 0 : i32
    %c0_i32_0 = arith.constant 0 : i32
    %c0_i32_1 = arith.constant 0 : i32
    return %c0_i32, %c0_i32_0 : i32, i32
  }
  func.func @transform_5(%arg0: i32) -> (i32, i32) {
    %c0_i32 = arith.constant 0 : i32
    %c0_i32_0 = arith.constant 0 : i32
    %c0_i32_1 = arith.constant 0 : i32
    return %c0_i32, %c0_i32_0 : i32, i32
  }
  func.func @transform_6(%arg0: i32) -> (i32, i32) {
    %c0_i32 = arith.constant 0 : i32
    %c0_i32_0 = arith.constant 0 : i32
    return %arg0, %c0_i32 : i32, i32
  }
  func.func @transform_7(%arg0: i32) -> (i32, i32) {
    %c0_i32 = arith.constant 0 : i32
    %c0_i32_0 = arith.constant 0 : i32
    return %arg0, %c0_i32 : i32, i32
  }
}

module attributes {stable_mosaic.version = 14 : i64} {
  func.func @_layer1_body(%arg0: i32, %arg1: memref<2000x32xf32, #tpu.memory_space<vmem>>, %arg2: memref<2000x32xf32, #tpu.memory_space<vmem>>, %arg3: memref<2000x32xf32, #tpu.memory_space<vmem>>, %arg4: memref<2000x32xf32, #tpu.memory_space<vmem>>, %arg5: memref<64x64xf32, #tpu.memory_space<vmem>>, %arg6: memref<64x64xf32, #tpu.memory_space<vmem>>, %arg7: memref<1x64xf32, #tpu.memory_space<vmem>>, %arg8: memref<64x16xf32, #tpu.memory_space<vmem>>, %arg9: memref<2000x32xf32, #tpu.memory_space<vmem>>, %arg10: memref<2000x32xf32, #tpu.memory_space<vmem>>, %arg11: memref<2000x16xf32, #tpu.memory_space<vmem>>) attributes {dimension_semantics = [#tpu.dimension_semantics<arbitrary>], iteration_bounds = array<i64: 25>, scalar_prefetch = 0 : i64, scratch_operands = 0 : i64, tpu.core_type = #tpu.core_type<tc>, window_params = [{transform_indices = @transform_0, window_bounds = array<i64: 2000, 32>}, {transform_indices = @transform_1, window_bounds = array<i64: 2000, 32>}, {transform_indices = @transform_2, window_bounds = array<i64: 2000, 32>}, {transform_indices = @transform_3, window_bounds = array<i64: 2000, 32>}, {pipeline_mode = #tpu.pipeline_mode<synchronous>, transform_indices = @transform_4, window_bounds = array<i64: 64, 64>}, {pipeline_mode = #tpu.pipeline_mode<synchronous>, transform_indices = @transform_5, window_bounds = array<i64: 64, 64>}, {pipeline_mode = #tpu.pipeline_mode<synchronous>, transform_indices = @transform_6, window_bounds = array<i64: 1, 64>}, {pipeline_mode = #tpu.pipeline_mode<synchronous>, transform_indices = @transform_7, window_bounds = array<i64: 64, 16>}, {transform_indices = @transform_8, window_bounds = array<i64: 2000, 32>}, {transform_indices = @transform_9, window_bounds = array<i64: 2000, 32>}, {transform_indices = @transform_10, window_bounds = array<i64: 2000, 16>}]} {
    %get3A = arith.constant 0 : index
    %get3A_0 = arith.constant 0 : index
    %get3A_1 = vector.load %arg1[%get3A, %get3A_0] : memref<2000x32xf32, #tpu.memory_space<vmem>>, vector<2000x32xf32>
    %get3A_2 = arith.constant 0 : index
    %get3A_3 = arith.constant 0 : index
    %get3A_4 = vector.load %arg2[%get3A_2, %get3A_3] : memref<2000x32xf32, #tpu.memory_space<vmem>>, vector<2000x32xf32>
    %concatenate3A = tpu.concatenate %get3A_1, %get3A_4 in 1 : vector<2000x32xf32>, vector<2000x32xf32> -> vector<2000x64xf32>
    %get3A_5 = arith.constant 0 : index
    %get3A_6 = arith.constant 0 : index
    %get3A_7 = vector.load %arg3[%get3A_5, %get3A_6] : memref<2000x32xf32, #tpu.memory_space<vmem>>, vector<2000x32xf32>
    %get3A_8 = arith.constant 0 : index
    %get3A_9 = arith.constant 0 : index
    %get3A_10 = vector.load %arg4[%get3A_8, %get3A_9] : memref<2000x32xf32, #tpu.memory_space<vmem>>, vector<2000x32xf32>
    %concatenate3A_11 = tpu.concatenate %get3A_7, %get3A_10 in 1 : vector<2000x32xf32>, vector<2000x32xf32> -> vector<2000x64xf32>
    %get3A_12 = arith.constant 0 : index
    %get3A_13 = arith.constant 0 : index
    %get3A_14 = vector.load %arg5[%get3A_12, %get3A_13] : memref<64x64xf32, #tpu.memory_space<vmem>>, vector<64x64xf32>
    %dot_general3A = arith.constant dense<0.000000e+00> : vector<2000x64xf32>
    %dot_general3A_15 = tpu.matmul %concatenate3A, %get3A_14, %dot_general3A {dimension_numbers = #tpu.dot_dimension_numbers<[1], [0], [0], [1], [0, 0, 1, 1], [], []>, transpose_lhs_hint = false} : vector<2000x64xf32>, vector<64x64xf32>, vector<2000x64xf32> -> vector<2000x64xf32>
    %get3A_16 = arith.constant 0 : index
    %get3A_17 = arith.constant 0 : index
    %get3A_18 = vector.load %arg7[%get3A_16, %get3A_17] : memref<1x64xf32, #tpu.memory_space<vmem>>, vector<1x64xf32>
    %add3A = vector.broadcast %get3A_18 : vector<1x64xf32> to vector<2000x64xf32>
    %add3A_19 = arith.addf %dot_general3A_15, %add3A : vector<2000x64xf32>
    %get3A_20 = arith.constant 0 : index
    %get3A_21 = arith.constant 0 : index
    %get3A_22 = vector.load %arg6[%get3A_20, %get3A_21] : memref<64x64xf32, #tpu.memory_space<vmem>>, vector<64x64xf32>
    %dot_general3A_23 = arith.constant dense<0.000000e+00> : vector<2000x64xf32>
    %dot_general3A_24 = tpu.matmul %concatenate3A_11, %get3A_22, %dot_general3A_23 {dimension_numbers = #tpu.dot_dimension_numbers<[1], [0], [0], [1], [0, 0, 1, 1], [], []>, transpose_lhs_hint = false} : vector<2000x64xf32>, vector<64x64xf32>, vector<2000x64xf32> -> vector<2000x64xf32>
    %add3A_25 = arith.addf %add3A_19, %dot_general3A_24 : vector<2000x64xf32>
    %mul3A = arith.mulf %add3A_25, %add3A_25 : vector<2000x64xf32>
    %reduce_sum3A = arith.constant dense<0.000000e+00> : vector<2000xf32>
    %reduce_sum3A_26 = vector.multi_reduction <add>, %mul3A, %reduce_sum3A [1] : vector<2000x64xf32> to vector<2000xf32>
    %broadcast_in_dim3A = vector.shape_cast %reduce_sum3A_26 : vector<2000xf32> to vector<2000x1xf32>
    %sqrt3A = math.sqrt %broadcast_in_dim3A : vector<2000x1xf32>
    %max3A = arith.constant 9.99999996E-13 : f32
    %max3A_27 = vector.broadcast %max3A : f32 to vector<2000x1xf32>
    %max3A_28 = arith.maximumf %sqrt3A, %max3A_27 : vector<2000x1xf32>
    %div3A = vector.broadcast %max3A_28 : vector<2000x1xf32> to vector<2000x64xf32>
    %div3A_29 = arith.divf %add3A_25, %div3A : vector<2000x64xf32>
    %gt3A = arith.constant 0.000000e+00 : f32
    %gt3A_30 = vector.broadcast %gt3A : f32 to vector<2000x64xf32>
    %gt3A_31 = arith.cmpf ogt, %div3A_29, %gt3A_30 : vector<2000x64xf32>
    %min3A = arith.constant 0.000000e+00 : f32
    %min3A_32 = vector.broadcast %min3A : f32 to vector<2000x64xf32>
    %min3A_33 = arith.minimumf %div3A_29, %min3A_32 : vector<2000x64xf32>
    %exp3A = math.exp %min3A_33 : vector<2000x64xf32>
    %sub3A = arith.constant 1.000000e+00 : f32
    %sub3A_34 = vector.broadcast %sub3A : f32 to vector<2000x64xf32>
    %sub3A_35 = arith.subf %exp3A, %sub3A_34 : vector<2000x64xf32>
    %select_n3A = arith.select %gt3A_31, %div3A_29, %sub3A_35 : vector<2000x64xi1>, vector<2000x64xf32>
    %slice3A = vector.extract_strided_slice %select_n3A {offsets = [0, 0], sizes = [2000, 32], strides = [1, 1]} : vector<2000x64xf32> to vector<2000x32xf32>
    %swap3A = arith.constant 0 : index
    %swap3A_36 = arith.constant 0 : index
    %swap3A_37 = vector.load %arg9[%swap3A, %swap3A_36] : memref<2000x32xf32, #tpu.memory_space<vmem>>, vector<2000x32xf32>
    tpu.vector_store %arg9[%swap3A, %swap3A_36], %slice3A {strides = array<i32>} : memref<2000x32xf32, #tpu.memory_space<vmem>>, vector<2000x32xf32>,
    %slice3A_38 = vector.extract_strided_slice %select_n3A {offsets = [0, 32], sizes = [2000, 32], strides = [1, 1]} : vector<2000x64xf32> to vector<2000x32xf32>
    %swap3A_39 = arith.constant 0 : index
    %swap3A_40 = arith.constant 0 : index
    %swap3A_41 = vector.load %arg10[%swap3A_39, %swap3A_40] : memref<2000x32xf32, #tpu.memory_space<vmem>>, vector<2000x32xf32>
    tpu.vector_store %arg10[%swap3A_39, %swap3A_40], %slice3A_38 {strides = array<i32>} : memref<2000x32xf32, #tpu.memory_space<vmem>>, vector<2000x32xf32>,
    %get3A_42 = arith.constant 0 : index
    %get3A_43 = arith.constant 0 : index
    %get3A_44 = vector.load %arg8[%get3A_42, %get3A_43] : memref<64x16xf32, #tpu.memory_space<vmem>>, vector<64x16xf32>
    %dot_general3A_45 = arith.constant dense<0.000000e+00> : vector<2000x16xf32>
    %dot_general3A_46 = tpu.matmul %select_n3A, %get3A_44, %dot_general3A_45 {dimension_numbers = #tpu.dot_dimension_numbers<[1], [0], [0], [1], [0, 0, 1, 1], [], []>, transpose_lhs_hint = false} : vector<2000x64xf32>, vector<64x16xf32>, vector<2000x16xf32> -> vector<2000x16xf32>
    %swap3A_47 = arith.constant 0 : index
    %swap3A_48 = arith.constant 0 : index
    %swap3A_49 = vector.load %arg11[%swap3A_47, %swap3A_48] : memref<2000x16xf32, #tpu.memory_space<vmem>>, vector<2000x16xf32>
    tpu.vector_store %arg11[%swap3A_47, %swap3A_48], %dot_general3A_46 {strides = array<i32>} : memref<2000x16xf32, #tpu.memory_space<vmem>>, vector<2000x16xf32>,
    return
  }
  func.func @transform_0(%arg0: i32) -> (i32, i32) {
    %c0_i32 = arith.constant 0 : i32
    %c0_i32_0 = arith.constant 0 : i32
    return %arg0, %c0_i32 : i32, i32
  }
  func.func @transform_1(%arg0: i32) -> (i32, i32) {
    %c0_i32 = arith.constant 0 : i32
    %c0_i32_0 = arith.constant 0 : i32
    return %arg0, %c0_i32 : i32, i32
  }
  func.func @transform_2(%arg0: i32) -> (i32, i32) {
    %c0_i32 = arith.constant 0 : i32
    %c0_i32_0 = arith.constant 0 : i32
    return %arg0, %c0_i32 : i32, i32
  }
  func.func @transform_3(%arg0: i32) -> (i32, i32) {
    %c0_i32 = arith.constant 0 : i32
    %c0_i32_0 = arith.constant 0 : i32
    return %arg0, %c0_i32 : i32, i32
  }
  func.func @transform_4(%arg0: i32) -> (i32, i32) {
    %c0_i32 = arith.constant 0 : i32
    %c0_i32_0 = arith.constant 0 : i32
    %c0_i32_1 = arith.constant 0 : i32
    return %c0_i32, %c0_i32_0 : i32, i32
  }
  func.func @transform_5(%arg0: i32) -> (i32, i32) {
    %c0_i32 = arith.constant 0 : i32
    %c0_i32_0 = arith.constant 0 : i32
    %c0_i32_1 = arith.constant 0 : i32
    return %c0_i32, %c0_i32_0 : i32, i32
  }
  func.func @transform_6(%arg0: i32) -> (i32, i32) {
    %c0_i32 = arith.constant 0 : i32
    %c0_i32_0 = arith.constant 0 : i32
    %c0_i32_1 = arith.constant 0 : i32
    return %c0_i32, %c0_i32_0 : i32, i32
  }
  func.func @transform_7(%arg0: i32) -> (i32, i32) {
    %c0_i32 = arith.constant 0 : i32
    %c0_i32_0 = arith.constant 0 : i32
    %c0_i32_1 = arith.constant 0 : i32
    return %c0_i32, %c0_i32_0 : i32, i32
  }
  func.func @transform_8(%arg0: i32) -> (i32, i32) {
    %c0_i32 = arith.constant 0 : i32
    %c0_i32_0 = arith.constant 0 : i32
    return %arg0, %c0_i32 : i32, i32
  }
  func.func @transform_9(%arg0: i32) -> (i32, i32) {
    %c0_i32 = arith.constant 0 : i32
    %c0_i32_0 = arith.constant 0 : i32
    return %arg0, %c0_i32 : i32, i32
  }
  func.func @transform_10(%arg0: i32) -> (i32, i32) {
    %c0_i32 = arith.constant 0 : i32
    %c0_i32_0 = arith.constant 0 : i32
    return %arg0, %c0_i32 : i32, i32
  }
}

module attributes {stable_mosaic.version = 14 : i64} {
  func.func @_final_body(%arg0: i32, %arg1: memref<2000x32xf32, #tpu.memory_space<vmem>>, %arg2: memref<2000x32xf32, #tpu.memory_space<vmem>>, %arg3: memref<64x16xf32, #tpu.memory_space<vmem>>, %arg4: memref<1x16xf32, #tpu.memory_space<vmem>>, %arg5: memref<2000x16xf32, #tpu.memory_space<vmem>>, %arg6: memref<2000x16xf32, #tpu.memory_space<vmem>>) attributes {dimension_semantics = [#tpu.dimension_semantics<arbitrary>], iteration_bounds = array<i64: 25>, scalar_prefetch = 0 : i64, scratch_operands = 0 : i64, tpu.core_type = #tpu.core_type<tc>, window_params = [{transform_indices = @transform_0, window_bounds = array<i64: 2000, 32>}, {transform_indices = @transform_1, window_bounds = array<i64: 2000, 32>}, {pipeline_mode = #tpu.pipeline_mode<synchronous>, transform_indices = @transform_2, window_bounds = array<i64: 64, 16>}, {pipeline_mode = #tpu.pipeline_mode<synchronous>, transform_indices = @transform_3, window_bounds = array<i64: 1, 16>}, {transform_indices = @transform_4, window_bounds = array<i64: 2000, 16>}, {transform_indices = @transform_5, window_bounds = array<i64: 2000, 16>}]} {
    %get3A = arith.constant 0 : index
    %get3A_0 = arith.constant 0 : index
    %get3A_1 = vector.load %arg1[%get3A, %get3A_0] : memref<2000x32xf32, #tpu.memory_space<vmem>>, vector<2000x32xf32>
    %get3A_2 = arith.constant 0 : index
    %get3A_3 = arith.constant 0 : index
    %get3A_4 = vector.load %arg2[%get3A_2, %get3A_3] : memref<2000x32xf32, #tpu.memory_space<vmem>>, vector<2000x32xf32>
    %concatenate3A = tpu.concatenate %get3A_1, %get3A_4 in 1 : vector<2000x32xf32>, vector<2000x32xf32> -> vector<2000x64xf32>
    %get3A_5 = arith.constant 0 : index
    %get3A_6 = arith.constant 0 : index
    %get3A_7 = vector.load %arg3[%get3A_5, %get3A_6] : memref<64x16xf32, #tpu.memory_space<vmem>>, vector<64x16xf32>
    %dot_general3A = arith.constant dense<0.000000e+00> : vector<2000x16xf32>
    %dot_general3A_8 = tpu.matmul %concatenate3A, %get3A_7, %dot_general3A {dimension_numbers = #tpu.dot_dimension_numbers<[1], [0], [0], [1], [0, 0, 1, 1], [], []>, transpose_lhs_hint = false} : vector<2000x64xf32>, vector<64x16xf32>, vector<2000x16xf32> -> vector<2000x16xf32>
    %get3A_9 = arith.constant 0 : index
    %get3A_10 = arith.constant 0 : index
    %get3A_11 = vector.load %arg4[%get3A_9, %get3A_10] : memref<1x16xf32, #tpu.memory_space<vmem>>, vector<1x16xf32>
    %add3A = vector.broadcast %get3A_11 : vector<1x16xf32> to vector<2000x16xf32>
    %add3A_12 = arith.addf %dot_general3A_8, %add3A : vector<2000x16xf32>
    %get3A_13 = arith.constant 0 : index
    %get3A_14 = arith.constant 0 : index
    %get3A_15 = vector.load %arg5[%get3A_13, %get3A_14] : memref<2000x16xf32, #tpu.memory_space<vmem>>, vector<2000x16xf32>
    %add3A_16 = arith.addf %add3A_12, %get3A_15 : vector<2000x16xf32>
    %reduce_max3A = arith.constant dense<0xFF800000> : vector<2000xf32>
    %reduce_max3A_17 = vector.multi_reduction <maximumf>, %add3A_16, %reduce_max3A [1] : vector<2000x16xf32> to vector<2000xf32>
    %broadcast_in_dim3A = vector.shape_cast %reduce_max3A_17 : vector<2000xf32> to vector<2000x1xf32>
    %iota3A = tpu.iota {dimensions = array<i32: 1>} : vector<2000x16xi32>
    %ge3A = vector.broadcast %broadcast_in_dim3A : vector<2000x1xf32> to vector<2000x16xf32>
    %ge3A_18 = arith.cmpf oge, %add3A_16, %ge3A : vector<2000x16xf32>
    %jit3A = arith.constant 16 : i32
    %broadcast_in_dim3A_19 = vector.broadcast %jit3A : i32 to vector<2000x16xi32>
    %select_n3A = arith.select %ge3A_18, %iota3A, %broadcast_in_dim3A_19 : vector<2000x16xi1>, vector<2000x16xi32>
    %reduce_min3A = arith.constant dense<2147483647> : vector<2000xi32>
    %reduce_min3A_20 = vector.multi_reduction <minsi>, %select_n3A, %reduce_min3A [1] : vector<2000x16xi32> to vector<2000xi32>
    %broadcast_in_dim3A_21 = vector.shape_cast %reduce_min3A_20 : vector<2000xi32> to vector<2000x1xi32>
    %eq3A = vector.broadcast %broadcast_in_dim3A_21 : vector<2000x1xi32> to vector<2000x16xi32>
    %eq3A_22 = arith.cmpi eq, %iota3A, %eq3A : vector<2000x16xi32>
    %convert_element_type3A = arith.extui %eq3A_22 : vector<2000x16xi1> to vector<2000x16xi32>
    %convert_element_type3A_23 = arith.sitofp %convert_element_type3A : vector<2000x16xi32> to vector<2000x16xf32>
    %swap3A = arith.constant 0 : index
    %swap3A_24 = arith.constant 0 : index
    %swap3A_25 = vector.load %arg6[%swap3A, %swap3A_24] : memref<2000x16xf32, #tpu.memory_space<vmem>>, vector<2000x16xf32>
    tpu.vector_store %arg6[%swap3A, %swap3A_24], %convert_element_type3A_23 {strides = array<i32>} : memref<2000x16xf32, #tpu.memory_space<vmem>>, vector<2000x16xf32>,
    return
  }
  func.func @transform_0(%arg0: i32) -> (i32, i32) {
    %c0_i32 = arith.constant 0 : i32
    %c0_i32_0 = arith.constant 0 : i32
    return %arg0, %c0_i32 : i32, i32
  }
  func.func @transform_1(%arg0: i32) -> (i32, i32) {
    %c0_i32 = arith.constant 0 : i32
    %c0_i32_0 = arith.constant 0 : i32
    return %arg0, %c0_i32 : i32, i32
  }
  func.func @transform_2(%arg0: i32) -> (i32, i32) {
    %c0_i32 = arith.constant 0 : i32
    %c0_i32_0 = arith.constant 0 : i32
    %c0_i32_1 = arith.constant 0 : i32
    return %c0_i32, %c0_i32_0 : i32, i32
  }
  func.func @transform_3(%arg0: i32) -> (i32, i32) {
    %c0_i32 = arith.constant 0 : i32
    %c0_i32_0 = arith.constant 0 : i32
    %c0_i32_1 = arith.constant 0 : i32
    return %c0_i32, %c0_i32_0 : i32, i32
  }
  func.func @transform_4(%arg0: i32) -> (i32, i32) {
    %c0_i32 = arith.constant 0 : i32
    %c0_i32_0 = arith.constant 0 : i32
    return %arg0, %c0_i32 : i32, i32
  }
  func.func @transform_5(%arg0: i32) -> (i32, i32) {
    %c0_i32 = arith.constant 0 : i32
    %c0_i32_0 = arith.constant 0 : i32
    return %arg0, %c0_i32 : i32, i32
  }
}

</mosaic_0001>

<sc_bundles>
// kernel: kernel.10.cloned.1.call-start
scs
__scs_entry_jumppad:
0x0: {  	(pc) =	sbr.rel $0x88, $3  }
0x1: {  	(tag) =	ssettag $0x0;
	lr =	simm.s32 $0x1  }
0x2: {  	[smem:$0x3F94] =	sst lr;
	_ =	strace $0xD0000000  }
0x3: {  	_ = 	snop  }
0x4: {  	_ = 	snop  }
0x5: {  	_ = 	snop  }
0x6: {  	_ = 	snop  }
0x7: {  	_ = 	snop  }
__scs_overlays_trampoline_lowered:
0x8: {  	[smem:$0x3FA3] =	sst s0  }
0x9: {  	[smem:$0x3FA4] =	sst s1  }
0xa: {  	[smem:$0x3FA5] =	sst s2  }
0xb: {  	[smem:$0x3FA6] =	sst s3  }
0xc: {  	[smem:$0x3FA7] =	sst s4  }
0xd: {  	[smem:$0x3FA8] =	sst s5  }
0xe: {  	[smem:$0x3FA9] =	sst s6  }
0xf: {  	[smem:$0x3FAA] =	sst s7  }
0x10: {  	[smem:$0x3FAB] =	sst s8  }
0x11: {  	[smem:$0x3FAC] =	sst s9;
	s0 =	simm.s32 @!p0 $0x0  }
0x12: {  	s1 =	sld [smem:$0x3F92];
	s0 =	simm.s32 @p0 $0x1  }
0x13: {  	[smem:$0x3FAD] =	sst s0;
	s0 =	simm.s32 @!p1 $0x0  }
0x14: {  	s2 =	sld [smem:$0x3F91];
	s0 =	simm.s32 @p1 $0x1  }
0x15: {  	[smem:$0x3FAE] =	sst s0;
	s0 =	simm.s32 @!p2 $0x0  }
0x16: {  	s3 =	sld [smem:$0x3FDB];
	s0 =	simm.s32 @p2 $0x1  }
0x17: {  	s4 =	simm.s32 $0x1BF5;
	[smem:$0x3FB0] =	sst s0  }
0x18: {  	s0 =	sld [smem:$0x3F93];
	_ =	swait.ge [sflag:s4], $0x0  }
0x19: {  	s7 =	sld [smem:$0x3F94]  }
0x1a: {  	s8 =	sadd.s32 $0xFFFFE003, lr  }
0x1b: {  	s9 =	sadd.s32 $0xFFFFFEF7, lr;
	s5 =	simm.s32 $0xFFFFFFFF;
	p2 =	slt.u32 s8, $0xFFFFF086  }
0x1c: {  	p1 =	slt.u32 s9, $0xF7A;
	s5 =	simm.s32 @!p2 $0x0  }
0x1d: {  	s5 =	simm.s32 @p1 $0x1;
	p0 =	seq.s32 s7, s2  }
0x1e: {  	s7 =	smul.u32 @!p0 $0xF7A, s2;
	p2 =	seq.s32 @!p0 s5, $0x0  }
0x1f: {  	s9 =	smul.u32 $0xF7A, s1;
	s8 =	simm.s32 @!p0 $0x1BF5;
	p2 =	por !p2, p0  }
0x20: {  	[sflag:s8] =	ssyncset.s32 @!p0 $0xFFFFF086;
	s6 =	sadd.s32 @!p0 s3, s7;
	s7 =	simm.s32 @!p0 $0x108  }
0x21: {  	s3 =	sadd.s32 s3, s9;
	s6 =	sadd.s32 @!p0 $0x88, s6;
	s7 =	simm.s32 @p2 $0x1082  }
0x22: {  	[simem:s7], [sflag:s8] =	dma.local @!p0 [hbm:s6], $0xF7A  }
0x23: {  	s9 =	sor.u32 $0xD0000000, s2;
	s6 =	simm.s32 $0x108;
	_ =	swait.ge @!p0 [sflag:s8], $0x0  }
0x24: {  	s3 =	sadd.s32 $0x88, s3;
	s6 =	simm.s32 @!p1 $0x1082;
	[sflag:s4] =	ssyncset.s32 $0xFFFFF086  }
0x25: {  	[simem:s6], [sflag:s4] =	dma.local [hbm:s3], $0xF7A  }
0x26: {  	[smem:$0x3F94] =	sst s1;
	(tag) =	ssettag s2;
	_ =	strace s9  }
0x27: {  	s1 =	sld [smem:$0x3FA4]  }
0x28: {  	s2 =	sld [smem:$0x3FA5]  }
0x29: {  	s4 =	sld [smem:$0x3FA7]  }
0x2a: {  	p0 =	seq.s32 s5, $0x0;
	s5 =	sld [smem:$0x3FA8]  }
0x2b: {  	s6 =	sld [smem:$0x3FA9]  }
0x2c: {  	s7 =	sld [smem:$0x3FAA]  }
0x2d: {  	s3 =	simm.s32 $0x108;
	s8 =	sld [smem:$0x3FAB]  }
0x2e: {  	s3 =	simm.s32 @!p0 $0x1082;
	s9 =	sld [smem:$0x3FAC]  }
0x2f: {  	lr =	sadd.s32 s0, s3;
	s0 =	sld [smem:$0x3FA3]  }
0x30: {  	s3 =	sld [smem:$0x3FA6]  }
0x31: {  	[smem:$0x3FAF] =	sst s10  }
0x32: {  	s10 =	sld [smem:$0x3FAD];
	_ =	sdelay $0x3  }
0x33: {  	p0 =	seq.s32 s10, $0x1;
	s10 =	sld [smem:$0x3FAF];
	_ =	sdelay $0x3  }
0x34: {  	[smem:$0x3FAF] =	sst s10  }
0x35: {  	s10 =	sld [smem:$0x3FAE];
	_ =	sdelay $0x3  }
0x36: {  	p1 =	seq.s32 s10, $0x1;
	s10 =	sld [smem:$0x3FAF];
	_ =	sdelay $0x3  }
0x37: {  	[smem:$0x3FAF] =	sst s10  }
0x38: {  	s10 =	sld [smem:$0x3FB0]  }
0x39: {  	_ = 	snop;
	(pc) =	sbr.ind lr, $3  }
0x3a: {  	_ = 	snop  }
0x3b: {  	_ = 	snop  }
0x3c: {  	p2 =	seq.s32 s10, $0x1;
	s10 =	sld [smem:$0x3FAF]  }
0x3d: {  	_ =	shalt  }
0x3e: {  	_ =	shalt  }
0x3f: {  	_ =	shalt  }
0x40: {  	_ =	shalt  }
0x41: {  	_ =	shalt  }
0x42: {  	_ =	shalt  }
0x43: {  	_ =	shalt  }
0x44: {  	_ =	shalt  }
0x45: {  	_ =	shalt  }
0x46: {  	_ =	shalt  }
0x47: {  	_ =	shalt  }
0x48: {  	_ =	shalt  }
0x49: {  	_ =	shalt  }
0x4a: {  	_ =	shalt  }
0x4b: {  	_ =	shalt  }
0x4c: {  	_ =	shalt  }
0x4d: {  	_ =	shalt  }
0x4e: {  	_ =	shalt  }
0x4f: {  	_ =	shalt  }
0x50: {  	_ =	shalt  }
0x51: {  	_ =	shalt  }
0x52: {  	_ =	shalt  }
0x53: {  	_ =	shalt  }
0x54: {  	_ =	shalt  }
0x55: {  	_ =	shalt  }
0x56: {  	_ =	shalt  }
0x57: {  	_ =	shalt  }
0x58: {  	_ =	shalt  }
0x59: {  	_ =	shalt  }
0x5a: {  	_ =	shalt  }
0x5b: {  	_ =	shalt  }
0x5c: {  	_ =	shalt  }
0x5d: {  	_ =	shalt  }
0x5e: {  	_ =	shalt  }
0x5f: {  	_ =	shalt  }
0x60: {  	_ =	shalt  }
0x61: {  	_ =	shalt  }
0x62: {  	_ =	shalt  }
0x63: {  	_ =	shalt  }
0x64: {  	_ =	shalt  }
0x65: {  	_ =	shalt  }
0x66: {  	_ =	shalt  }
0x67: {  	_ =	shalt  }
0x68: {  	_ =	shalt  }
0x69: {  	_ =	shalt  }
0x6a: {  	_ =	shalt  }
0x6b: {  	_ =	shalt  }
0x6c: {  	_ =	shalt  }
0x6d: {  	_ =	shalt  }
0x6e: {  	_ =	shalt  }
0x6f: {  	_ =	shalt  }
0x70: {  	_ =	shalt  }
0x71: {  	_ =	shalt  }
0x72: {  	_ =	shalt  }
0x73: {  	_ =	shalt  }
0x74: {  	_ =	shalt  }
0x75: {  	_ =	shalt  }
0x76: {  	_ =	shalt  }
0x77: {  	_ =	shalt  }
0x78: {  	_ =	shalt  }
0x79: {  	_ =	shalt  }
0x7a: {  	_ =	shalt  }
0x7b: {  	_ =	shalt  }
0x7c: {  	_ =	shalt  }
0x7d: {  	_ =	shalt  }
0x7e: {  	_ =	shalt  }
0x7f: {  	_ =	shalt  }
0x80: {  	_ =	shalt  }
0x81: {  	_ =	shalt  }
0x82: {  	_ =	shalt  }
0x83: {  	_ =	shalt  }
0x84: {  	_ =	shalt  }
0x85: {  	_ =	shalt  }
0x86: {  	_ =	shalt  }
0x87: {  	_ =	shalt  }
.Lfunc_end0:
.L_simem_size_0:
called_computation.1_lowered:
.L_overlay_start_0:
0x88: {  	s2 =	sld [smem:$0x3FD9]  }
0x89: {  	s3 =	sld [smem:$0x3FFE];
	_ =	sdelay $0x1  }
0x8a: {  	s1 =	srdreg.scid  }
0x8b: {  	s0 =	sand.u32 $0x1, s1  }
0x8c: {  	s17 =	sshll.u32 s0, $0xA;
	s2 =	sadd.s32 s3, s2  }
0x8d: {  	s2 =	sadd.s32 s2, s17  }
0x8e: {  	[smem:$0x3FBB] =	sst s2  }
0x8f: {  	_ = 	snop  }
0x90: {  	s2 =	sld [smem:$0x3FD0];
	(tm) =	ssettm $0x1  }
0x91: {  	s18 =	sld [smem:$0x3FFB];
	_ =	sdelay $0x3  }
0x92: {  	_ =	strace s18  }
0x93: {  	s3 =	sld [smem:$0x3FFC];
	_ =	sdelay $0x3  }
0x94: {  	_ =	strace s3  }
0x95: {  	s3 =	sld [smem:$0x3FFD];
	_ =	sdelay $0x3  }
0x96: {  	_ =	strace s3  }
0x97: {  	_ =	strace $0x8FFFFFFF  }
0x98: {  	s19 =	sld [smem:$0x3FDB];
	_ =	sdelay $0x1  }
0x99: {  	s4 =	simm.s32 $_scs_section_size  }
0x9a: {  	s5 =	simm.s32 $_size__tile_overlayer_lowered;
	s6 =	simm.s32 $_tile_overlayer_lowered  }
0x9b: {  	s22 =	simm.s32 $0x1BFF;
	s21 =	sshll.u32 s6, $0x1;
	s3 =	sadd.s32 s4, s19  }
0x9c: {  	s7 =	simm.s32 $0x0;
	s20 =	sshll.u32 s5, $0x1;
	s5 =	sadd.s32 s21, s3  }
0x9d: {  	[timem:s7], [sflag:s22] =	dma.local [hbm:s5], s20  }
0x9e: {  	_ =	swait.ge [sflag:s22], s20  }
0x9f: {  	s4 =	ssub.s32 $0x0, s20;
	[sflag:s22] =	ssyncset.done $0x0  }
0xa0: {  	[sflag:s22] =	ssyncadd.s32 s4;
	_ =	sdelay $0x1  }
0xa1: {  	s23 =	simm.s32 $0x1B8B  }
0xa2: {  	_ =	swait.ge [sflag:s23], $0x1  }
0xa3: {  	[sflag:s23] =	ssyncset.done $0x0  }
0xa4: {  	s25 =	simm.s32 $0x1B8E;
	s24 =	sld [smem:$0x3FFE];
	[sflag:s23] =	ssyncadd.s32 $0xFFFFFFFF  }
0xa5: {  	s26 =	simm.s32 $execute0_lowered;
	[smem:$0x3FD2] =	sst s25  }
0xa6: {  	s5 =	sshll.u32 s26, $0x1;
	_ =	strace $0x80000049;
	[dreg:$0x1] =	wrdreg $0xFFFFFFFF  }
0xa7: {  	s28 =	simm.s32 $_size_execute0_lowered;
	s3 =	sadd.s32 s3, s5;
	[dreg:$0x0] =	wrdreg $0x0  }
0xa8: {  	s5 =	sshll.u32 s28, $0x1;
	[dreg:$0x2] =	wrdreg s3  }
0xa9: {  	[dreg:$0x3] =	wrdreg s5  }
0xaa: {  	[dreg:$0x4] =	wrdreg $0xC0  }
0xab: {  	_ =	task [dreg:s7], $0x5FFFF  }
0xac: {  	[dreg:$0x1] =	wrdreg $0xFFFFFFFF  }
0xad: {  	[dreg:$0x0] =	wrdreg $0x60  }
0xae: {  	[dreg:$0x2] =	wrdreg s24  }
0xaf: {  	[dreg:$0x3] =	wrdreg s2  }
0xb0: {  	[dreg:$0x4] =	wrdreg $0x35200  }
0xb1: {  	[dreg:$0x5] =	wrdreg $0x9  }
0xb2: {  	_ =	task.clear_ibuf [dreg:s7], $0x6FFFF;
	_ =	strace $0x90000049  }
0xb3: {  	s29 =	simm.s32 $0x9;
	_ =	strace $0x8000004B  }
0xb4: {  	_ =	swait.ge [sflag:s29], $0x1  }
0xb5: {  	[sflag:s29] =	ssyncadd.s32 $0xFFFFFFFF  }
0xb6: {  	_ =	strace $0x9000004B  }
0xb7: {  	_ =	sfence  }
0xb8: {  	s30 =	sld [smem:$0x0];
	_ =	sdelay $0x2  }
0xb9: {  	s31 =	sshll.u32 s1, $0xD;
	s1 =	sshrl.u32 s1, $0x2  }
0xba: {  	s3 =	sand.u32 $0x4000, s31;
	s1 =	sadd.s32 s1, s30  }
0xbb: {  	s0 =	sor.u32 s3, s0;
	s1 =	sshll.u32 s1, $0x11  }
0xbc: {  	s0 =	sor.u32 s1, s0  }
0xbd: {  	s0 =	sadd.s32 $0x8F2B, s0  }
0xbe: {  	[sflag:s0] =	ssyncadd.remote.s32 $0x1  }
0xbf: {  	_ =	sfence.sel $0xFFFF  }
0xc0: {  	[dreg:$0x0] =	wrdreg $0xFFFFFFFF;
	(pc) =	sbr.abs _section_cstart, $3  }
0xc1: {  	[dreg:$0x1] =	wrdreg $0xFFFFFFFF  }
0xc2: {  	_ =	task.clear_ibuf [dreg:s7], $0x2FFFF;
	_ =	strace $0x9FFFFFFF  }
0xc3: {  	(tm) =	ssettm $0x7FFFFFFF  }
tec
execute0_lowered:
.L_overlay_start_1:
0x0: {  	(tag) =	ssettag $0x1  }
0x1: {  	s8 =	rddreg [dreg:$0x0]  }
0x2: {  	s18 =	rddreg [dreg:$0x1]  }
0x3: {  	s2 =	rddreg [dreg:$0x2]  }
0x4: {  	s0 =	rddreg [dreg:$0x3]  }
0x5: {  	s3 =	simm.s32 $0x0;
	s1 =	stileid.u32;
	s6 =	srdreg.scid  }
0x6: {  	s21 =	simm.s32 $0x2;
	s22 =	simm.s32 $0x190;
	s23 =	simm.s32 $0x1  }
0x7: {  	s25 =	simm.s32 $0x0;
	[smem:$0x7FF] =	sst s3;
	s19 =	smul.u32 $0x186A, s1  }
0x8: {  	s4 =	sadd.s32 $0x33E00, s8;
	s7 =	smul.u32 $0x61C00, s1;
	s5 =	sadd.s32 $0x3000, s8  }
0x9: {  	s10 =	sand.u32 $0x1, s6;
	s6 =	sadd.s32 $0xAE200, s8;
	s12 =	smul.u32 $0x18700, s1  }
0xa: {  	_ =	strace $0x8000004A;
	s9 =	ssub.s32 $0x2, s10;
	p0 =	seq.s32 s10, $0x1  }
0xb: {  	s20 =	sadd.s32 s19, s8;
	s7 =	sshrl.u32 s7, $0x2;
	s11 =	sshrl.u32 s9, $0x1  }
0xc: {  	s8 =	sadd.s32 $0x7D400, s8;
	s10 =	sshrl.u32 s12, $0x3;
	s24 =	sadd.s32 s12, s2  }
.Ltmp0:
0xd: {  	s18 =	sadd.s32 s19, s18;
	s7 =	sadd.s32 s7, s2;
	(pc) =	sbr.rel .LBB2_1-.Ltmp0, $4  }
0xe: {  	s11 =	ssub.s32 s9, s11;
	s19 =	sadd.s32 $0x64C00, s20;
	s20 =	simm.s32 $0x320  }
0xf: {  	s24 =	sshrl.u32 s24, $0x3;
	s9 =	sadd.s32 $0x15E00, s7;
	s11 =	smax.u32 s11, $0x1  }
0x10: {  	s12 =	sadd.s32 $0x3200, s7;
	s13 =	sadd.s32 $0x6400, s7;
	s14 =	sadd.s32 $0x9600, s7  }
0x11: {  	v0 =	vimm.f32 $0.0e+00;
	s15 =	sadd.s32 $0xC800, s7;
	s16 =	sadd.s32 $0xFA00, s7;
	s17 =	sadd.s32 $0x12C00, s7  }
.LBB2_6:
0x12: {  	s28 =	sadd.s32 s26, s19;
	[sflag:s21] =	ssyncadd.s32 $0xFFFFCE00  }
0x13: {  	[tilespmem:s3], [sflag:$0x2] =	stream.linear.gather [hbm4b:s28+s3], $0x190, $0x38;
	[tilespmem:$0x1BC20] =	vst v63  }
0x14: {  	_ =	swait.ge [sflag:s21], $0x190  }
0x15: {  	[sflag:s21] =	ssyncset.done $0x0  }
0x16: {  	s31 =	sadd.s32 s26, s18;
	[sflag:s21] =	ssyncadd.s32 $0xFFFFFE70  }
0x17: {  	[tilespmem:s22], [sflag:$0x2] =	stream.linear.gather [hbm4b:s31+s3], $0x190, $0x38;
	[tilespmem:$0x1BC20] =	vst v63  }
0x18: {  	_ =	swait.ge [sflag:s21], $0x190  }
0x19: {  	[sflag:s21] =	ssyncset.done $0x0  }
0x1a: {  	[sflag:s21] =	ssyncadd.s32 $0xFFFFFE70  }
0x1b: {  	[tilespmem:s20], [sflag:$0x1] =	stream.indirect.gather [hbm4b:s4+s22], $0x20, s3, s22, $0xb8;
	[tilespmem:$0x1BC20] =	vst v63  }
0x1c: {  	_ =	swait.ge [sflag:s23], $0x3200  }
0x1d: {  	[sflag:s23] =	ssyncset.done $0x0  }
0x1e: {  	[sflag:s23] =	ssyncadd.s32 $0xFFFFCE00  }
0x1f: {  	[spmem:s2] =	stream.indirect.scatter.add.f32 [tilespmem:s20], [sflag:$0x2], $0x20, s22, s22, $0xb8;
	[tilespmem:$0x1BC20] =	vst v63  }
0x20: {  	_ =	swait.ge [sflag:s21], $0x3200  }
0x21: {  	[sflag:s21] =	ssyncset.done $0x0  }
0x22: {  	s26 =	smov.u32 s6;
	[sflag:s21] =	ssyncadd.s32 $0xFFFFCE00  }
.LBB2_10:
0x23: {  	s25 =	sadd.s32 $0x1, s25  }
0x24: {  	s28 =	sshll.u32 s1, $0x6;
	s26 =	sadd.s32 s26, s10;
	p1 =	sne.s32 s25, s11  }
.Ltmp1:
0x25: {  	[bflag:$0x0] =	sbarrier.arrive $0xFFFF;
	s28 =	sor.u32 $0x1C02, s28;
	(pc) =	sbr.rel @!p1 .LBB2_11-.Ltmp1, $4  }
0x26: {  	[hbm:s26], [sflag:s28] =	dma.local [spmem:s24], $0x30E0  }
0x27: {  	_ =	swait.ge [sflag:s21], $0x30E0  }
0x28: {  	[sflag:s21] =	ssyncset.done $0x0  }
0x29: {  	[sflag:s21] =	ssyncadd.s32 $0xFFFFCF20  }
.LBB2_1:
0x2a: {  	s26 =	simm.s32 $0x80;
	s28 =	simm.s32 $0x0  }
.LBB2_2:
0x2b: {  	p1 =	sne.s32 s26, $0xC780;
	[tilespmem:s28+$0x320] =	vst v0;
	s29 =	smov.u32 s26;
	s26 =	sadd.s32 $0x80, s26  }
.Ltmp2:
0x2c: {  	[tilespmem:s28+$0x330] =	vst v0;
	(pc) =	sbr.rel @p1 .LBB2_2-.Ltmp2, $2  }
0x2d: {  	_ =	sdelay $0x2  }
0x2e: {  	s28 =	sshra.s32 s29, $0x2  }
0x2f: {  	[tilespmem:s28+$0x320] =	vst v0  }
0x30: {  	[tilespmem:s28+$0x330] =	vst v0  }
0x31: {  	[spmem:s7] =	stream.linear.scatter [tilespmem:s20], [sflag:$0x2], $0x3200, $0x38;
	[tilespmem:$0x1BC20] =	vst v63  }
0x32: {  	_ =	swait.ge [sflag:s21], $0x3200  }
0x33: {  	[sflag:s21] =	ssyncset.done $0x0  }
0x34: {  	[sflag:s21] =	ssyncadd.s32 $0xFFFFCE00  }
0x35: {  	[spmem:s12] =	stream.linear.scatter [tilespmem:s20], [sflag:$0x2], $0x3200, $0x38;
	[tilespmem:$0x1BC20] =	vst v63  }
0x36: {  	_ =	swait.ge [sflag:s21], $0x3200  }
0x37: {  	[sflag:s21] =	ssyncset.done $0x0  }
0x38: {  	[sflag:s21] =	ssyncadd.s32 $0xFFFFCE00  }
0x39: {  	[spmem:s13] =	stream.linear.scatter [tilespmem:s20], [sflag:$0x2], $0x3200, $0x38;
	[tilespmem:$0x1BC20] =	vst v63  }
0x3a: {  	_ =	swait.ge [sflag:s21], $0x3200  }
0x3b: {  	[sflag:s21] =	ssyncset.done $0x0  }
0x3c: {  	[sflag:s21] =	ssyncadd.s32 $0xFFFFCE00  }
0x3d: {  	[spmem:s14] =	stream.linear.scatter [tilespmem:s20], [sflag:$0x2], $0x3200, $0x38;
	[tilespmem:$0x1BC20] =	vst v63  }
0x3e: {  	_ =	swait.ge [sflag:s21], $0x3200  }
0x3f: {  	[sflag:s21] =	ssyncset.done $0x0  }
0x40: {  	[sflag:s21] =	ssyncadd.s32 $0xFFFFCE00  }
0x41: {  	[spmem:s15] =	stream.linear.scatter [tilespmem:s20], [sflag:$0x2], $0x3200, $0x38;
	[tilespmem:$0x1BC20] =	vst v63  }
0x42: {  	_ =	swait.ge [sflag:s21], $0x3200  }
0x43: {  	[sflag:s21] =	ssyncset.done $0x0  }
0x44: {  	[sflag:s21] =	ssyncadd.s32 $0xFFFFCE00  }
0x45: {  	[spmem:s16] =	stream.linear.scatter [tilespmem:s20], [sflag:$0x2], $0x3200, $0x38;
	[tilespmem:$0x1BC20] =	vst v63  }
0x46: {  	_ =	swait.ge [sflag:s21], $0x3200  }
0x47: {  	[sflag:s21] =	ssyncset.done $0x0  }
0x48: {  	[sflag:s21] =	ssyncadd.s32 $0xFFFFCE00  }
0x49: {  	[spmem:s17] =	stream.linear.scatter [tilespmem:s20], [sflag:$0x2], $0x3200, $0x38;
	[tilespmem:$0x1BC20] =	vst v63  }
0x4a: {  	_ =	swait.ge [sflag:s21], $0x3200  }
0x4b: {  	[sflag:s21] =	ssyncset.done $0x0  }
0x4c: {  	[sflag:s21] =	ssyncadd.s32 $0xFFFFCE00  }
0x4d: {  	[spmem:s9] =	stream.linear.scatter [tilespmem:s20], [sflag:$0x2], $0x2900, $0x38;
	[tilespmem:$0x1BC20] =	vst v63  }
.Ltmp3:
0x4e: {  	_ =	swait.ge [sflag:s21], $0x2900;
	(pc) =	sbr.rel @!p0 .LBB2_4-.Ltmp3, $4  }
0x4f: {  	[sflag:s21] =	ssyncset.done $0x0  }
0x50: {  	[sflag:s21] =	ssyncadd.s32 $0xFFFFD700  }
0x51: {  	[bflag:$0x0] =	sbarrier.arrive $0xFFFF  }
0x52: {  	s26 =	sadd.s32 $0x0, s19  }
0x53: {  	[tilespmem:s3], [sflag:$0x2] =	stream.linear.gather [hbm4b:s26+s3], $0x190, $0x38;
	[tilespmem:$0x1BC20] =	vst v63  }
0x54: {  	_ =	swait.ge [sflag:s21], $0x190  }
0x55: {  	[sflag:s21] =	ssyncset.done $0x0  }
0x56: {  	s31 =	sadd.s32 $0x0, s18;
	[sflag:s21] =	ssyncadd.s32 $0xFFFFFE70  }
0x57: {  	[tilespmem:s22], [sflag:$0x2] =	stream.linear.gather [hbm4b:s31+s3], $0x190, $0x38;
	[tilespmem:$0x1BC20] =	vst v63  }
0x58: {  	_ =	swait.ge [sflag:s21], $0x190  }
0x59: {  	[sflag:s21] =	ssyncset.done $0x0  }
0x5a: {  	[sflag:s21] =	ssyncadd.s32 $0xFFFFFE70  }
0x5b: {  	[tilespmem:s20], [sflag:$0x1] =	stream.indirect.gather [hbm4b:s5+s22], $0x20, s3, s22, $0xb8;
	[tilespmem:$0x1BC20] =	vst v63  }
0x5c: {  	_ =	swait.ge [sflag:s23], $0x3200  }
0x5d: {  	[sflag:s23] =	ssyncset.done $0x0  }
0x5e: {  	[sflag:s23] =	ssyncadd.s32 $0xFFFFCE00  }
0x5f: {  	[spmem:s2] =	stream.indirect.scatter.add.f32 [tilespmem:s20], [sflag:$0x2], $0x20, s22, s22, $0xb8;
	[tilespmem:$0x1BC20] =	vst v63  }
0x60: {  	_ =	swait.ge [sflag:s21], $0x3200  }
0x61: {  	s26 =	simm.s32 $0x32;
	s28 =	simm.s32 $0x64;
	[sflag:s21] =	ssyncset.done $0x0  }
.LBB2_8:
0x62: {  	s29 =	sadd.s32 s26, s19  }
0x63: {  	[sflag:s21] =	ssyncadd.s32 $0xFFFFCE00;
	s30 =	smov.u32 s28;
	s31 =	sadd.s32 $0x32, s28  }
0x64: {  	[tilespmem:s3], [sflag:$0x2] =	stream.linear.gather [hbm4b:s29+s3], $0x190, $0x38;
	[tilespmem:$0x1BC20] =	vst v63  }
0x65: {  	p1 =	sne.s32 s28, $0x1838;
	_ =	swait.ge [sflag:s21], $0x190  }
0x66: {  	[sflag:s21] =	ssyncset.done $0x0  }
0x67: {  	s28 =	sadd.s32 s26, s18;
	s26 =	smov.u32 s30;
	[sflag:s21] =	ssyncadd.s32 $0xFFFFFE70  }
0x68: {  	[tilespmem:s22], [sflag:$0x2] =	stream.linear.gather [hbm4b:s28+s3], $0x190, $0x38;
	[tilespmem:$0x1BC20] =	vst v63  }
0x69: {  	_ =	swait.ge [sflag:s21], $0x190  }
0x6a: {  	[sflag:s21] =	ssyncset.done $0x0  }
0x6b: {  	[sflag:s21] =	ssyncadd.s32 $0xFFFFFE70  }
0x6c: {  	[tilespmem:s20], [sflag:$0x1] =	stream.indirect.gather [hbm4b:s5+s22], $0x20, s3, s22, $0xb8;
	[tilespmem:$0x1BC20] =	vst v63  }
0x6d: {  	_ =	swait.ge [sflag:s23], $0x3200  }
.Ltmp4:
0x6e: {  	[sflag:s23] =	ssyncset.done $0x0;
	(pc) =	sbr.rel @p1 .LBB2_8-.Ltmp4, $4  }
0x6f: {  	[sflag:s23] =	ssyncadd.s32 $0xFFFFCE00  }
0x70: {  	[spmem:s2] =	stream.indirect.scatter.add.f32 [tilespmem:s20], [sflag:$0x2], $0x20, s22, s22, $0xb8;
	[tilespmem:$0x1BC20] =	vst v63  }
0x71: {  	_ =	swait.ge [sflag:s21], $0x3200  }
0x72: {  	s28 =	smov.u32 s31;
	[sflag:s21] =	ssyncset.done $0x0  }
0x73: {  	s28 =	sadd.s32 s26, s19;
	[sflag:s21] =	ssyncadd.s32 $0xFFFFCE00  }
0x74: {  	[tilespmem:s3], [sflag:$0x2] =	stream.linear.gather [hbm4b:s28+s3], $0x190, $0x38;
	[tilespmem:$0x1BC20] =	vst v63  }
0x75: {  	_ =	swait.ge [sflag:s21], $0x190  }
0x76: {  	[sflag:s21] =	ssyncset.done $0x0  }
0x77: {  	s31 =	sadd.s32 s26, s18;
	[sflag:s21] =	ssyncadd.s32 $0xFFFFFE70  }
0x78: {  	[tilespmem:s22], [sflag:$0x2] =	stream.linear.gather [hbm4b:s31+s3], $0x190, $0x38;
	[tilespmem:$0x1BC20] =	vst v63  }
0x79: {  	_ =	swait.ge [sflag:s21], $0x190  }
0x7a: {  	[sflag:s21] =	ssyncset.done $0x0  }
0x7b: {  	[sflag:s21] =	ssyncadd.s32 $0xFFFFFE70  }
0x7c: {  	[tilespmem:s20], [sflag:$0x1] =	stream.indirect.gather [hbm4b:s5+s22], $0x20, s3, s22, $0xb8;
	[tilespmem:$0x1BC20] =	vst v63  }
0x7d: {  	_ =	swait.ge [sflag:s23], $0x3200  }
0x7e: {  	[sflag:s23] =	ssyncset.done $0x0  }
.Ltmp5:
0x7f: {  	[sflag:s23] =	ssyncadd.s32 $0xFFFFCE00;
	(pc) =	sbr.rel .LBB2_10-.Ltmp5, $4  }
0x80: {  	[spmem:s2] =	stream.indirect.scatter.add.f32 [tilespmem:s20], [sflag:$0x2], $0x20, s22, s22, $0xb8;
	[tilespmem:$0x1BC20] =	vst v63  }
0x81: {  	_ =	swait.ge [sflag:s21], $0x3200  }
0x82: {  	[sflag:s21] =	ssyncset.done $0x0  }
0x83: {  	s26 =	smov.u32 s8;
	[sflag:s21] =	ssyncadd.s32 $0xFFFFCE00  }
.LBB2_4:
0x84: {  	[tilespmem:s3], [sflag:$0x2] =	stream.linear.gather [hbm4b:s26+s3], $0x190, $0x38;
	[tilespmem:$0x1BC20] =	vst v63  }
0x85: {  	_ =	swait.ge [sflag:s21], $0x190  }
0x86: {  	[sflag:s21] =	ssyncset.done $0x0  }
0x87: {  	s31 =	sadd.s32 $0x0, s18;
	[sflag:s21] =	ssyncadd.s32 $0xFFFFFE70  }
0x88: {  	[tilespmem:s22], [sflag:$0x2] =	stream.linear.gather [hbm4b:s31+s3], $0x190, $0x38;
	[tilespmem:$0x1BC20] =	vst v63  }
0x89: {  	_ =	swait.ge [sflag:s21], $0x190  }
0x8a: {  	[sflag:s21] =	ssyncset.done $0x0  }
0x8b: {  	[sflag:s21] =	ssyncadd.s32 $0xFFFFFE70  }
0x8c: {  	[tilespmem:s20], [sflag:$0x1] =	stream.indirect.gather [hbm4b:s4+s22], $0x20, s3, s22, $0xb8;
	[tilespmem:$0x1BC20] =	vst v63  }
0x8d: {  	_ =	swait.ge [sflag:s23], $0x3200  }
0x8e: {  	[sflag:s23] =	ssyncset.done $0x0  }
0x8f: {  	[sflag:s23] =	ssyncadd.s32 $0xFFFFCE00  }
0x90: {  	[spmem:s2] =	stream.indirect.scatter.add.f32 [tilespmem:s20], [sflag:$0x2], $0x20, s22, s22, $0xb8;
	[tilespmem:$0x1BC20] =	vst v63  }
0x91: {  	_ =	swait.ge [sflag:s21], $0x3200  }
0x92: {  	s26 =	simm.s32 $0x32;
	s28 =	simm.s32 $0x64;
	[sflag:s21] =	ssyncset.done $0x0  }
.LBB2_5:
0x93: {  	s29 =	sadd.s32 s26, s19  }
0x94: {  	[sflag:s21] =	ssyncadd.s32 $0xFFFFCE00;
	s30 =	smov.u32 s28;
	s31 =	sadd.s32 $0x32, s28  }
0x95: {  	[tilespmem:s3], [sflag:$0x2] =	stream.linear.gather [hbm4b:s29+s3], $0x190, $0x38;
	[tilespmem:$0x1BC20] =	vst v63  }
0x96: {  	p1 =	seq.s32 s28, $0x1838;
	_ =	swait.ge [sflag:s21], $0x190  }
0x97: {  	[sflag:s21] =	ssyncset.done $0x0  }
0x98: {  	s28 =	sadd.s32 s26, s18;
	s26 =	smov.u32 s30;
	[sflag:s21] =	ssyncadd.s32 $0xFFFFFE70  }
0x99: {  	[tilespmem:s22], [sflag:$0x2] =	stream.linear.gather [hbm4b:s28+s3], $0x190, $0x38;
	[tilespmem:$0x1BC20] =	vst v63  }
0x9a: {  	_ =	swait.ge [sflag:s21], $0x190  }
0x9b: {  	[sflag:s21] =	ssyncset.done $0x0  }
0x9c: {  	[sflag:s21] =	ssyncadd.s32 $0xFFFFFE70  }
0x9d: {  	[tilespmem:s20], [sflag:$0x1] =	stream.indirect.gather [hbm4b:s4+s22], $0x20, s3, s22, $0xb8;
	[tilespmem:$0x1BC20] =	vst v63  }
0x9e: {  	_ =	swait.ge [sflag:s23], $0x3200  }
.Ltmp6:
0x9f: {  	[sflag:s23] =	ssyncset.done $0x0;
	(pc) =	sbr.rel @!p1 .LBB2_5-.Ltmp6, $4  }
0xa0: {  	[sflag:s23] =	ssyncadd.s32 $0xFFFFCE00  }
0xa1: {  	[spmem:s2] =	stream.indirect.scatter.add.f32 [tilespmem:s20], [sflag:$0x2], $0x20, s22, s22, $0xb8;
	[tilespmem:$0x1BC20] =	vst v63  }
0xa2: {  	_ =	swait.ge [sflag:s21], $0x3200  }
0xa3: {  	s28 =	smov.u32 s31;
	[sflag:s21] =	ssyncset.done $0x0  }
.Ltmp7:
0xa4: {  	_ = 	snop;
	(pc) =	sbr.rel .LBB2_6-.Ltmp7, $1  }
0xa5: {  	_ =	sdelay $0x3  }
.LBB2_11:
0xa6: {  	_ =	sfence.sel $0x180000  }
0xa7: {  	[bflag:$0x0] =	sbarrier.arrive $0xFFFF  }
0xa8: {  	p0 =	sne.s32 s1, $0x0;
	_ =	strace $0x9000004A  }
0xa9: {  	s0 =	sadd.s32 @!p0 $0x100000, s0;
	[bflag:$0x2] =	sbarrier.arrive $0xFFFF  }
0xaa: {  	[sflag:s0] =	ssyncadd.tile.s32 @!p0 $0x1;
	_ =	shalt  }
.Lfunc_end2:
_tile_overlayer_lowered:
.L_overlay_start_2:
0xab: {  	(tag) =	ssettag $0x2  }
0xac: {  	s0 =	rddreg [dreg:$0x0];
	s2 =	stileid.u32  }
0xad: {  	s1 =	rddreg [dreg:$0x1];
	p0 =	sne.s32 s2, $0x0  }
0xae: {  	s3 =	rddreg [dreg:$0x2];
	[bflag:$0x3] =	sbarrier.arrive $0xFFFF;
	s2 =	simm.s32 @!p0 $0x1C02  }
0xaf: {  	[timem:s3], [sflag:s2] =	dma.local @!p0 [hbm:s0], s1  }
0xb0: {  	s0 =	simm.s32 @!p0 $0x2  }
0xb1: {  	_ =	swait.ge @!p0 [sflag:s0], s1  }
0xb2: {  	s1 =	ssub.s32 @!p0 $0x0, s1;
	[sflag:s0] =	ssyncset.done @!p0 $0x0  }
0xb3: {  	[sflag:s0] =	ssyncadd.s32 @!p0 s1  }
0xb4: {  	[bflag:$0x3] =	sbarrier.arrive $0xFFFF  }
0xb5: {  	_ =	shalt  }

// kernel: kernel.7.cloned.1.call-start
scs
__scs_entry_jumppad:
0x0: {  	(pc) =	sbr.rel $0x88, $3  }
0x1: {  	(tag) =	ssettag $0x0;
	lr =	simm.s32 $0x1  }
0x2: {  	[smem:$0x3F94] =	sst lr;
	_ =	strace $0xD0000000  }
0x3: {  	_ = 	snop  }
0x4: {  	_ = 	snop  }
0x5: {  	_ = 	snop  }
0x6: {  	_ = 	snop  }
0x7: {  	_ = 	snop  }
__scs_overlays_trampoline_lowered:
0x8: {  	[smem:$0x3FA3] =	sst s0  }
0x9: {  	[smem:$0x3FA4] =	sst s1  }
0xa: {  	[smem:$0x3FA5] =	sst s2  }
0xb: {  	[smem:$0x3FA6] =	sst s3  }
0xc: {  	[smem:$0x3FA7] =	sst s4  }
0xd: {  	[smem:$0x3FA8] =	sst s5  }
0xe: {  	[smem:$0x3FA9] =	sst s6  }
0xf: {  	[smem:$0x3FAA] =	sst s7  }
0x10: {  	[smem:$0x3FAB] =	sst s8  }
0x11: {  	[smem:$0x3FAC] =	sst s9;
	s0 =	simm.s32 @!p0 $0x0  }
0x12: {  	s1 =	sld [smem:$0x3F92];
	s0 =	simm.s32 @p0 $0x1  }
0x13: {  	[smem:$0x3FAD] =	sst s0;
	s0 =	simm.s32 @!p1 $0x0  }
0x14: {  	s2 =	sld [smem:$0x3F91];
	s0 =	simm.s32 @p1 $0x1  }
0x15: {  	[smem:$0x3FAE] =	sst s0;
	s0 =	simm.s32 @!p2 $0x0  }
0x16: {  	s3 =	sld [smem:$0x3FDB];
	s0 =	simm.s32 @p2 $0x1  }
0x17: {  	s4 =	simm.s32 $0x1BF5;
	[smem:$0x3FB0] =	sst s0  }
0x18: {  	s0 =	sld [smem:$0x3F93];
	_ =	swait.ge [sflag:s4], $0x0  }
0x19: {  	s7 =	sld [smem:$0x3F94]  }
0x1a: {  	s8 =	sadd.s32 $0xFFFFE003, lr  }
0x1b: {  	s9 =	sadd.s32 $0xFFFFFEF7, lr;
	s5 =	simm.s32 $0xFFFFFFFF;
	p2 =	slt.u32 s8, $0xFFFFF086  }
0x1c: {  	p1 =	slt.u32 s9, $0xF7A;
	s5 =	simm.s32 @!p2 $0x0  }
0x1d: {  	s5 =	simm.s32 @p1 $0x1;
	p0 =	seq.s32 s7, s2  }
0x1e: {  	s7 =	smul.u32 @!p0 $0xF7A, s2;
	p2 =	seq.s32 @!p0 s5, $0x0  }
0x1f: {  	s9 =	smul.u32 $0xF7A, s1;
	s8 =	simm.s32 @!p0 $0x1BF5;
	p2 =	por !p2, p0  }
0x20: {  	[sflag:s8] =	ssyncset.s32 @!p0 $0xFFFFF086;
	s6 =	sadd.s32 @!p0 s3, s7;
	s7 =	simm.s32 @!p0 $0x108  }
0x21: {  	s3 =	sadd.s32 s3, s9;
	s6 =	sadd.s32 @!p0 $0x88, s6;
	s7 =	simm.s32 @p2 $0x1082  }
0x22: {  	[simem:s7], [sflag:s8] =	dma.local @!p0 [hbm:s6], $0xF7A  }
0x23: {  	s9 =	sor.u32 $0xD0000000, s2;
	s6 =	simm.s32 $0x108;
	_ =	swait.ge @!p0 [sflag:s8], $0x0  }
0x24: {  	s3 =	sadd.s32 $0x88, s3;
	s6 =	simm.s32 @!p1 $0x1082;
	[sflag:s4] =	ssyncset.s32 $0xFFFFF086  }
0x25: {  	[simem:s6], [sflag:s4] =	dma.local [hbm:s3], $0xF7A  }
0x26: {  	[smem:$0x3F94] =	sst s1;
	(tag) =	ssettag s2;
	_ =	strace s9  }
0x27: {  	s1 =	sld [smem:$0x3FA4]  }
0x28: {  	s2 =	sld [smem:$0x3FA5]  }
0x29: {  	s4 =	sld [smem:$0x3FA7]  }
0x2a: {  	p0 =	seq.s32 s5, $0x0;
	s5 =	sld [smem:$0x3FA8]  }
0x2b: {  	s6 =	sld [smem:$0x3FA9]  }
0x2c: {  	s7 =	sld [smem:$0x3FAA]  }
0x2d: {  	s3 =	simm.s32 $0x108;
	s8 =	sld [smem:$0x3FAB]  }
0x2e: {  	s3 =	simm.s32 @!p0 $0x1082;
	s9 =	sld [smem:$0x3FAC]  }
0x2f: {  	lr =	sadd.s32 s0, s3;
	s0 =	sld [smem:$0x3FA3]  }
0x30: {  	s3 =	sld [smem:$0x3FA6]  }
0x31: {  	[smem:$0x3FAF] =	sst s10  }
0x32: {  	s10 =	sld [smem:$0x3FAD];
	_ =	sdelay $0x3  }
0x33: {  	p0 =	seq.s32 s10, $0x1;
	s10 =	sld [smem:$0x3FAF];
	_ =	sdelay $0x3  }
0x34: {  	[smem:$0x3FAF] =	sst s10  }
0x35: {  	s10 =	sld [smem:$0x3FAE];
	_ =	sdelay $0x3  }
0x36: {  	p1 =	seq.s32 s10, $0x1;
	s10 =	sld [smem:$0x3FAF];
	_ =	sdelay $0x3  }
0x37: {  	[smem:$0x3FAF] =	sst s10  }
0x38: {  	s10 =	sld [smem:$0x3FB0]  }
0x39: {  	_ = 	snop;
	(pc) =	sbr.ind lr, $3  }
0x3a: {  	_ = 	snop  }
0x3b: {  	_ = 	snop  }
0x3c: {  	p2 =	seq.s32 s10, $0x1;
	s10 =	sld [smem:$0x3FAF]  }
0x3d: {  	_ =	shalt  }
0x3e: {  	_ =	shalt  }
0x3f: {  	_ =	shalt  }
0x40: {  	_ =	shalt  }
0x41: {  	_ =	shalt  }
0x42: {  	_ =	shalt  }
0x43: {  	_ =	shalt  }
0x44: {  	_ =	shalt  }
0x45: {  	_ =	shalt  }
0x46: {  	_ =	shalt  }
0x47: {  	_ =	shalt  }
0x48: {  	_ =	shalt  }
0x49: {  	_ =	shalt  }
0x4a: {  	_ =	shalt  }
0x4b: {  	_ =	shalt  }
0x4c: {  	_ =	shalt  }
0x4d: {  	_ =	shalt  }
0x4e: {  	_ =	shalt  }
0x4f: {  	_ =	shalt  }
0x50: {  	_ =	shalt  }
0x51: {  	_ =	shalt  }
0x52: {  	_ =	shalt  }
0x53: {  	_ =	shalt  }
0x54: {  	_ =	shalt  }
0x55: {  	_ =	shalt  }
0x56: {  	_ =	shalt  }
0x57: {  	_ =	shalt  }
0x58: {  	_ =	shalt  }
0x59: {  	_ =	shalt  }
0x5a: {  	_ =	shalt  }
0x5b: {  	_ =	shalt  }
0x5c: {  	_ =	shalt  }
0x5d: {  	_ =	shalt  }
0x5e: {  	_ =	shalt  }
0x5f: {  	_ =	shalt  }
0x60: {  	_ =	shalt  }
0x61: {  	_ =	shalt  }
0x62: {  	_ =	shalt  }
0x63: {  	_ =	shalt  }
0x64: {  	_ =	shalt  }
0x65: {  	_ =	shalt  }
0x66: {  	_ =	shalt  }
0x67: {  	_ =	shalt  }
0x68: {  	_ =	shalt  }
0x69: {  	_ =	shalt  }
0x6a: {  	_ =	shalt  }
0x6b: {  	_ =	shalt  }
0x6c: {  	_ =	shalt  }
0x6d: {  	_ =	shalt  }
0x6e: {  	_ =	shalt  }
0x6f: {  	_ =	shalt  }
0x70: {  	_ =	shalt  }
0x71: {  	_ =	shalt  }
0x72: {  	_ =	shalt  }
0x73: {  	_ =	shalt  }
0x74: {  	_ =	shalt  }
0x75: {  	_ =	shalt  }
0x76: {  	_ =	shalt  }
0x77: {  	_ =	shalt  }
0x78: {  	_ =	shalt  }
0x79: {  	_ =	shalt  }
0x7a: {  	_ =	shalt  }
0x7b: {  	_ =	shalt  }
0x7c: {  	_ =	shalt  }
0x7d: {  	_ =	shalt  }
0x7e: {  	_ =	shalt  }
0x7f: {  	_ =	shalt  }
0x80: {  	_ =	shalt  }
0x81: {  	_ =	shalt  }
0x82: {  	_ =	shalt  }
0x83: {  	_ =	shalt  }
0x84: {  	_ =	shalt  }
0x85: {  	_ =	shalt  }
0x86: {  	_ =	shalt  }
0x87: {  	_ =	shalt  }
.Lfunc_end0:
.L_simem_size_0:
called_computation_lowered:
.L_overlay_start_0:
0x88: {  	s2 =	sld [smem:$0x3FD9]  }
0x89: {  	s3 =	sld [smem:$0x3FFE];
	_ =	sdelay $0x1  }
0x8a: {  	s1 =	srdreg.scid  }
0x8b: {  	s0 =	sand.u32 $0x1, s1  }
0x8c: {  	s17 =	sshll.u32 s0, $0xA;
	s2 =	sadd.s32 s3, s2  }
0x8d: {  	s2 =	sadd.s32 s2, s17  }
0x8e: {  	[smem:$0x3FBB] =	sst s2  }
0x8f: {  	_ = 	snop  }
0x90: {  	s2 =	sld [smem:$0x3FD0];
	(tm) =	ssettm $0x1  }
0x91: {  	s18 =	sld [smem:$0x3FFB];
	_ =	sdelay $0x3  }
0x92: {  	_ =	strace s18  }
0x93: {  	s3 =	sld [smem:$0x3FFC];
	_ =	sdelay $0x3  }
0x94: {  	_ =	strace s3  }
0x95: {  	s3 =	sld [smem:$0x3FFD];
	_ =	sdelay $0x3  }
0x96: {  	_ =	strace s3  }
0x97: {  	_ =	strace $0x8FFFFFFF  }
0x98: {  	s19 =	sld [smem:$0x3FDB];
	_ =	sdelay $0x1  }
0x99: {  	s4 =	simm.s32 $_scs_section_size  }
0x9a: {  	s5 =	simm.s32 $_size__tile_overlayer_lowered;
	s6 =	simm.s32 $_tile_overlayer_lowered  }
0x9b: {  	s22 =	simm.s32 $0x1BFF;
	s21 =	sshll.u32 s6, $0x1;
	s3 =	sadd.s32 s4, s19  }
0x9c: {  	s7 =	simm.s32 $0x0;
	s20 =	sshll.u32 s5, $0x1;
	s5 =	sadd.s32 s21, s3  }
0x9d: {  	[timem:s7], [sflag:s22] =	dma.local [hbm:s5], s20  }
0x9e: {  	_ =	swait.ge [sflag:s22], s20  }
0x9f: {  	s4 =	ssub.s32 $0x0, s20;
	[sflag:s22] =	ssyncset.done $0x0  }
0xa0: {  	[sflag:s22] =	ssyncadd.s32 s4;
	_ =	sdelay $0x1  }
0xa1: {  	s23 =	simm.s32 $0x1B8B  }
0xa2: {  	_ =	swait.ge [sflag:s23], $0x1  }
0xa3: {  	[sflag:s23] =	ssyncset.done $0x0  }
0xa4: {  	s25 =	simm.s32 $0x1B8E;
	s24 =	sld [smem:$0x3FFE];
	[sflag:s23] =	ssyncadd.s32 $0xFFFFFFFF  }
0xa5: {  	s26 =	simm.s32 $execute0_lowered;
	[smem:$0x3FD2] =	sst s25  }
0xa6: {  	s5 =	sshll.u32 s26, $0x1;
	_ =	strace $0x80000046;
	[dreg:$0x1] =	wrdreg $0xFFFFFFFF  }
0xa7: {  	s28 =	simm.s32 $_size_execute0_lowered;
	s3 =	sadd.s32 s3, s5;
	[dreg:$0x0] =	wrdreg $0x0  }
0xa8: {  	s5 =	sshll.u32 s28, $0x1;
	[dreg:$0x2] =	wrdreg s3  }
0xa9: {  	[dreg:$0x3] =	wrdreg s5  }
0xaa: {  	[dreg:$0x4] =	wrdreg $0xC0  }
0xab: {  	_ =	task [dreg:s7], $0x5FFFF  }
0xac: {  	[dreg:$0x1] =	wrdreg $0xFFFFFFFF  }
0xad: {  	[dreg:$0x0] =	wrdreg $0x60  }
0xae: {  	[dreg:$0x2] =	wrdreg s24  }
0xaf: {  	[dreg:$0x3] =	wrdreg s2  }
0xb0: {  	[dreg:$0x4] =	wrdreg $0x35200  }
0xb1: {  	[dreg:$0x5] =	wrdreg $0x9  }
0xb2: {  	_ =	task.clear_ibuf [dreg:s7], $0x6FFFF;
	_ =	strace $0x90000046  }
0xb3: {  	s29 =	simm.s32 $0x9;
	_ =	strace $0x80000048  }
0xb4: {  	_ =	swait.ge [sflag:s29], $0x1  }
0xb5: {  	[sflag:s29] =	ssyncadd.s32 $0xFFFFFFFF  }
0xb6: {  	_ =	strace $0x90000048  }
0xb7: {  	_ =	sfence  }
0xb8: {  	s30 =	sld [smem:$0x0];
	_ =	sdelay $0x2  }
0xb9: {  	s31 =	sshll.u32 s1, $0xD;
	s1 =	sshrl.u32 s1, $0x2  }
0xba: {  	s3 =	sand.u32 $0x4000, s31;
	s1 =	sadd.s32 s1, s30  }
0xbb: {  	s0 =	sor.u32 s3, s0;
	s1 =	sshll.u32 s1, $0x11  }
0xbc: {  	s0 =	sor.u32 s1, s0  }
0xbd: {  	s0 =	sadd.s32 $0x8F2B, s0  }
0xbe: {  	[sflag:s0] =	ssyncadd.remote.s32 $0x1  }
0xbf: {  	_ =	sfence.sel $0xFFFF  }
0xc0: {  	[dreg:$0x0] =	wrdreg $0xFFFFFFFF;
	(pc) =	sbr.abs _section_cstart, $3  }
0xc1: {  	[dreg:$0x1] =	wrdreg $0xFFFFFFFF  }
0xc2: {  	_ =	task.clear_ibuf [dreg:s7], $0x2FFFF;
	_ =	strace $0x9FFFFFFF  }
0xc3: {  	(tm) =	ssettm $0x7FFFFFFF  }
tec
execute0_lowered:
.L_overlay_start_1:
0x0: {  	(tag) =	ssettag $0x1  }
0x1: {  	s8 =	rddreg [dreg:$0x0]  }
0x2: {  	s18 =	rddreg [dreg:$0x1]  }
0x3: {  	s2 =	rddreg [dreg:$0x2]  }
0x4: {  	s0 =	rddreg [dreg:$0x3]  }
0x5: {  	s3 =	simm.s32 $0x0;
	s1 =	stileid.u32;
	s6 =	srdreg.scid  }
0x6: {  	s21 =	simm.s32 $0x2;
	s22 =	simm.s32 $0x190;
	s23 =	simm.s32 $0x1  }
0x7: {  	s25 =	simm.s32 $0x0;
	[smem:$0x7FF] =	sst s3;
	s19 =	smul.u32 $0x186A, s1  }
0x8: {  	s4 =	sadd.s32 $0x33E00, s8;
	s7 =	smul.u32 $0x61C00, s1;
	s5 =	sadd.s32 $0x3000, s8  }
0x9: {  	s10 =	sand.u32 $0x1, s6;
	s6 =	sadd.s32 $0x24D200, s8;
	s12 =	smul.u32 $0x18700, s1  }
0xa: {  	_ =	strace $0x80000047;
	s9 =	ssub.s32 $0x2, s10;
	p0 =	seq.s32 s10, $0x1  }
0xb: {  	s20 =	sadd.s32 s19, s8;
	s7 =	sshrl.u32 s7, $0x2;
	s11 =	sshrl.u32 s9, $0x1  }
0xc: {  	s8 =	sadd.s32 $0x7D400, s8;
	s10 =	sshrl.u32 s12, $0x3;
	s24 =	sadd.s32 s12, s2  }
.Ltmp0:
0xd: {  	s18 =	sadd.s32 s19, s18;
	s7 =	sadd.s32 s7, s2;
	(pc) =	sbr.rel .LBB2_1-.Ltmp0, $4  }
0xe: {  	s11 =	ssub.s32 s9, s11;
	s19 =	sadd.s32 $0x64C00, s20;
	s20 =	simm.s32 $0x320  }
0xf: {  	s24 =	sshrl.u32 s24, $0x3;
	s9 =	sadd.s32 $0x15E00, s7;
	s11 =	smax.u32 s11, $0x1  }
0x10: {  	s12 =	sadd.s32 $0x3200, s7;
	s13 =	sadd.s32 $0x6400, s7;
	s14 =	sadd.s32 $0x9600, s7  }
0x11: {  	v0 =	vimm.f32 $0.0e+00;
	s15 =	sadd.s32 $0xC800, s7;
	s16 =	sadd.s32 $0xFA00, s7;
	s17 =	sadd.s32 $0x12C00, s7  }
.LBB2_6:
0x12: {  	s28 =	sadd.s32 s26, s19;
	[sflag:s21] =	ssyncadd.s32 $0xFFFFCE00  }
0x13: {  	[tilespmem:s3], [sflag:$0x2] =	stream.linear.gather [hbm4b:s28+s3], $0x190, $0x38;
	[tilespmem:$0x1BC20] =	vst v63  }
0x14: {  	_ =	swait.ge [sflag:s21], $0x190  }
0x15: {  	[sflag:s21] =	ssyncset.done $0x0  }
0x16: {  	s31 =	sadd.s32 s26, s18;
	[sflag:s21] =	ssyncadd.s32 $0xFFFFFE70  }
0x17: {  	[tilespmem:s22], [sflag:$0x2] =	stream.linear.gather [hbm4b:s31+s3], $0x190, $0x38;
	[tilespmem:$0x1BC20] =	vst v63  }
0x18: {  	_ =	swait.ge [sflag:s21], $0x190  }
0x19: {  	[sflag:s21] =	ssyncset.done $0x0  }
0x1a: {  	[sflag:s21] =	ssyncadd.s32 $0xFFFFFE70  }
0x1b: {  	[tilespmem:s20], [sflag:$0x1] =	stream.indirect.gather [hbm4b:s4+s22], $0x20, s3, s22, $0xb8;
	[tilespmem:$0x1BC20] =	vst v63  }
0x1c: {  	_ =	swait.ge [sflag:s23], $0x3200  }
0x1d: {  	[sflag:s23] =	ssyncset.done $0x0  }
0x1e: {  	[sflag:s23] =	ssyncadd.s32 $0xFFFFCE00  }
0x1f: {  	[spmem:s2] =	stream.indirect.scatter.add.f32 [tilespmem:s20], [sflag:$0x2], $0x20, s22, s22, $0xb8;
	[tilespmem:$0x1BC20] =	vst v63  }
0x20: {  	_ =	swait.ge [sflag:s21], $0x3200  }
0x21: {  	[sflag:s21] =	ssyncset.done $0x0  }
0x22: {  	s26 =	smov.u32 s6;
	[sflag:s21] =	ssyncadd.s32 $0xFFFFCE00  }
.LBB2_10:
0x23: {  	s25 =	sadd.s32 $0x1, s25  }
0x24: {  	s28 =	sshll.u32 s1, $0x6;
	s26 =	sadd.s32 s26, s10;
	p1 =	sne.s32 s25, s11  }
.Ltmp1:
0x25: {  	[bflag:$0x0] =	sbarrier.arrive $0xFFFF;
	s28 =	sor.u32 $0x1C02, s28;
	(pc) =	sbr.rel @!p1 .LBB2_11-.Ltmp1, $4  }
0x26: {  	[hbm:s26], [sflag:s28] =	dma.local [spmem:s24], $0x30E0  }
0x27: {  	_ =	swait.ge [sflag:s21], $0x30E0  }
0x28: {  	[sflag:s21] =	ssyncset.done $0x0  }
0x29: {  	[sflag:s21] =	ssyncadd.s32 $0xFFFFCF20  }
.LBB2_1:
0x2a: {  	s26 =	simm.s32 $0x80;
	s28 =	simm.s32 $0x0  }
.LBB2_2:
0x2b: {  	p1 =	sne.s32 s26, $0xC780;
	[tilespmem:s28+$0x320] =	vst v0;
	s29 =	smov.u32 s26;
	s26 =	sadd.s32 $0x80, s26  }
.Ltmp2:
0x2c: {  	[tilespmem:s28+$0x330] =	vst v0;
	(pc) =	sbr.rel @p1 .LBB2_2-.Ltmp2, $2  }
0x2d: {  	_ =	sdelay $0x2  }
0x2e: {  	s28 =	sshra.s32 s29, $0x2  }
0x2f: {  	[tilespmem:s28+$0x320] =	vst v0  }
0x30: {  	[tilespmem:s28+$0x330] =	vst v0  }
0x31: {  	[spmem:s7] =	stream.linear.scatter [tilespmem:s20], [sflag:$0x2], $0x3200, $0x38;
	[tilespmem:$0x1BC20] =	vst v63  }
0x32: {  	_ =	swait.ge [sflag:s21], $0x3200  }
0x33: {  	[sflag:s21] =	ssyncset.done $0x0  }
0x34: {  	[sflag:s21] =	ssyncadd.s32 $0xFFFFCE00  }
0x35: {  	[spmem:s12] =	stream.linear.scatter [tilespmem:s20], [sflag:$0x2], $0x3200, $0x38;
	[tilespmem:$0x1BC20] =	vst v63  }
0x36: {  	_ =	swait.ge [sflag:s21], $0x3200  }
0x37: {  	[sflag:s21] =	ssyncset.done $0x0  }
0x38: {  	[sflag:s21] =	ssyncadd.s32 $0xFFFFCE00  }
0x39: {  	[spmem:s13] =	stream.linear.scatter [tilespmem:s20], [sflag:$0x2], $0x3200, $0x38;
	[tilespmem:$0x1BC20] =	vst v63  }
0x3a: {  	_ =	swait.ge [sflag:s21], $0x3200  }
0x3b: {  	[sflag:s21] =	ssyncset.done $0x0  }
0x3c: {  	[sflag:s21] =	ssyncadd.s32 $0xFFFFCE00  }
0x3d: {  	[spmem:s14] =	stream.linear.scatter [tilespmem:s20], [sflag:$0x2], $0x3200, $0x38;
	[tilespmem:$0x1BC20] =	vst v63  }
0x3e: {  	_ =	swait.ge [sflag:s21], $0x3200  }
0x3f: {  	[sflag:s21] =	ssyncset.done $0x0  }
0x40: {  	[sflag:s21] =	ssyncadd.s32 $0xFFFFCE00  }
0x41: {  	[spmem:s15] =	stream.linear.scatter [tilespmem:s20], [sflag:$0x2], $0x3200, $0x38;
	[tilespmem:$0x1BC20] =	vst v63  }
0x42: {  	_ =	swait.ge [sflag:s21], $0x3200  }
0x43: {  	[sflag:s21] =	ssyncset.done $0x0  }
0x44: {  	[sflag:s21] =	ssyncadd.s32 $0xFFFFCE00  }
0x45: {  	[spmem:s16] =	stream.linear.scatter [tilespmem:s20], [sflag:$0x2], $0x3200, $0x38;
	[tilespmem:$0x1BC20] =	vst v63  }
0x46: {  	_ =	swait.ge [sflag:s21], $0x3200  }
0x47: {  	[sflag:s21] =	ssyncset.done $0x0  }
0x48: {  	[sflag:s21] =	ssyncadd.s32 $0xFFFFCE00  }
0x49: {  	[spmem:s17] =	stream.linear.scatter [tilespmem:s20], [sflag:$0x2], $0x3200, $0x38;
	[tilespmem:$0x1BC20] =	vst v63  }
0x4a: {  	_ =	swait.ge [sflag:s21], $0x3200  }
0x4b: {  	[sflag:s21] =	ssyncset.done $0x0  }
0x4c: {  	[sflag:s21] =	ssyncadd.s32 $0xFFFFCE00  }
0x4d: {  	[spmem:s9] =	stream.linear.scatter [tilespmem:s20], [sflag:$0x2], $0x2900, $0x38;
	[tilespmem:$0x1BC20] =	vst v63  }
.Ltmp3:
0x4e: {  	_ =	swait.ge [sflag:s21], $0x2900;
	(pc) =	sbr.rel @!p0 .LBB2_4-.Ltmp3, $4  }
0x4f: {  	[sflag:s21] =	ssyncset.done $0x0  }
0x50: {  	[sflag:s21] =	ssyncadd.s32 $0xFFFFD700  }
0x51: {  	[bflag:$0x0] =	sbarrier.arrive $0xFFFF  }
0x52: {  	s26 =	sadd.s32 $0x0, s19  }
0x53: {  	[tilespmem:s3], [sflag:$0x2] =	stream.linear.gather [hbm4b:s26+s3], $0x190, $0x38;
	[tilespmem:$0x1BC20] =	vst v63  }
0x54: {  	_ =	swait.ge [sflag:s21], $0x190  }
0x55: {  	[sflag:s21] =	ssyncset.done $0x0  }
0x56: {  	s31 =	sadd.s32 $0x0, s18;
	[sflag:s21] =	ssyncadd.s32 $0xFFFFFE70  }
0x57: {  	[tilespmem:s22], [sflag:$0x2] =	stream.linear.gather [hbm4b:s31+s3], $0x190, $0x38;
	[tilespmem:$0x1BC20] =	vst v63  }
0x58: {  	_ =	swait.ge [sflag:s21], $0x190  }
0x59: {  	[sflag:s21] =	ssyncset.done $0x0  }
0x5a: {  	[sflag:s21] =	ssyncadd.s32 $0xFFFFFE70  }
0x5b: {  	[tilespmem:s20], [sflag:$0x1] =	stream.indirect.gather [hbm4b:s5+s22], $0x20, s3, s22, $0xb8;
	[tilespmem:$0x1BC20] =	vst v63  }
0x5c: {  	_ =	swait.ge [sflag:s23], $0x3200  }
0x5d: {  	[sflag:s23] =	ssyncset.done $0x0  }
0x5e: {  	[sflag:s23] =	ssyncadd.s32 $0xFFFFCE00  }
0x5f: {  	[spmem:s2] =	stream.indirect.scatter.add.f32 [tilespmem:s20], [sflag:$0x2], $0x20, s22, s22, $0xb8;
	[tilespmem:$0x1BC20] =	vst v63  }
0x60: {  	_ =	swait.ge [sflag:s21], $0x3200  }
0x61: {  	s26 =	simm.s32 $0x32;
	s28 =	simm.s32 $0x64;
	[sflag:s21] =	ssyncset.done $0x0  }
.LBB2_8:
0x62: {  	s29 =	sadd.s32 s26, s19  }
0x63: {  	[sflag:s21] =	ssyncadd.s32 $0xFFFFCE00;
	s30 =	smov.u32 s28;
	s31 =	sadd.s32 $0x32, s28  }
0x64: {  	[tilespmem:s3], [sflag:$0x2] =	stream.linear.gather [hbm4b:s29+s3], $0x190, $0x38;
	[tilespmem:$0x1BC20] =	vst v63  }
0x65: {  	p1 =	sne.s32 s28, $0x1838;
	_ =	swait.ge [sflag:s21], $0x190  }
0x66: {  	[sflag:s21] =	ssyncset.done $0x0  }
0x67: {  	s28 =	sadd.s32 s26, s18;
	s26 =	smov.u32 s30;
	[sflag:s21] =	ssyncadd.s32 $0xFFFFFE70  }
0x68: {  	[tilespmem:s22], [sflag:$0x2] =	stream.linear.gather [hbm4b:s28+s3], $0x190, $0x38;
	[tilespmem:$0x1BC20] =	vst v63  }
0x69: {  	_ =	swait.ge [sflag:s21], $0x190  }
0x6a: {  	[sflag:s21] =	ssyncset.done $0x0  }
0x6b: {  	[sflag:s21] =	ssyncadd.s32 $0xFFFFFE70  }
0x6c: {  	[tilespmem:s20], [sflag:$0x1] =	stream.indirect.gather [hbm4b:s5+s22], $0x20, s3, s22, $0xb8;
	[tilespmem:$0x1BC20] =	vst v63  }
0x6d: {  	_ =	swait.ge [sflag:s23], $0x3200  }
.Ltmp4:
0x6e: {  	[sflag:s23] =	ssyncset.done $0x0;
	(pc) =	sbr.rel @p1 .LBB2_8-.Ltmp4, $4  }
0x6f: {  	[sflag:s23] =	ssyncadd.s32 $0xFFFFCE00  }
0x70: {  	[spmem:s2] =	stream.indirect.scatter.add.f32 [tilespmem:s20], [sflag:$0x2], $0x20, s22, s22, $0xb8;
	[tilespmem:$0x1BC20] =	vst v63  }
0x71: {  	_ =	swait.ge [sflag:s21], $0x3200  }
0x72: {  	s28 =	smov.u32 s31;
	[sflag:s21] =	ssyncset.done $0x0  }
0x73: {  	s28 =	sadd.s32 s26, s19;
	[sflag:s21] =	ssyncadd.s32 $0xFFFFCE00  }
0x74: {  	[tilespmem:s3], [sflag:$0x2] =	stream.linear.gather [hbm4b:s28+s3], $0x190, $0x38;
	[tilespmem:$0x1BC20] =	vst v63  }
0x75: {  	_ =	swait.ge [sflag:s21], $0x190  }
0x76: {  	[sflag:s21] =	ssyncset.done $0x0  }
0x77: {  	s31 =	sadd.s32 s26, s18;
	[sflag:s21] =	ssyncadd.s32 $0xFFFFFE70  }
0x78: {  	[tilespmem:s22], [sflag:$0x2] =	stream.linear.gather [hbm4b:s31+s3], $0x190, $0x38;
	[tilespmem:$0x1BC20] =	vst v63  }
0x79: {  	_ =	swait.ge [sflag:s21], $0x190  }
0x7a: {  	[sflag:s21] =	ssyncset.done $0x0  }
0x7b: {  	[sflag:s21] =	ssyncadd.s32 $0xFFFFFE70  }
0x7c: {  	[tilespmem:s20], [sflag:$0x1] =	stream.indirect.gather [hbm4b:s5+s22], $0x20, s3, s22, $0xb8;
	[tilespmem:$0x1BC20] =	vst v63  }
0x7d: {  	_ =	swait.ge [sflag:s23], $0x3200  }
0x7e: {  	[sflag:s23] =	ssyncset.done $0x0  }
.Ltmp5:
0x7f: {  	[sflag:s23] =	ssyncadd.s32 $0xFFFFCE00;
	(pc) =	sbr.rel .LBB2_10-.Ltmp5, $4  }
0x80: {  	[spmem:s2] =	stream.indirect.scatter.add.f32 [tilespmem:s20], [sflag:$0x2], $0x20, s22, s22, $0xb8;
	[tilespmem:$0x1BC20] =	vst v63  }
0x81: {  	_ =	swait.ge [sflag:s21], $0x3200  }
0x82: {  	[sflag:s21] =	ssyncset.done $0x0  }
0x83: {  	s26 =	smov.u32 s8;
	[sflag:s21] =	ssyncadd.s32 $0xFFFFCE00  }
.LBB2_4:
0x84: {  	[tilespmem:s3], [sflag:$0x2] =	stream.linear.gather [hbm4b:s26+s3], $0x190, $0x38;
	[tilespmem:$0x1BC20] =	vst v63  }
0x85: {  	_ =	swait.ge [sflag:s21], $0x190  }
0x86: {  	[sflag:s21] =	ssyncset.done $0x0  }
0x87: {  	s31 =	sadd.s32 $0x0, s18;
	[sflag:s21] =	ssyncadd.s32 $0xFFFFFE70  }
0x88: {  	[tilespmem:s22], [sflag:$0x2] =	stream.linear.gather [hbm4b:s31+s3], $0x190, $0x38;
	[tilespmem:$0x1BC20] =	vst v63  }
0x89: {  	_ =	swait.ge [sflag:s21], $0x190  }
0x8a: {  	[sflag:s21] =	ssyncset.done $0x0  }
0x8b: {  	[sflag:s21] =	ssyncadd.s32 $0xFFFFFE70  }
0x8c: {  	[tilespmem:s20], [sflag:$0x1] =	stream.indirect.gather [hbm4b:s4+s22], $0x20, s3, s22, $0xb8;
	[tilespmem:$0x1BC20] =	vst v63  }
0x8d: {  	_ =	swait.ge [sflag:s23], $0x3200  }
0x8e: {  	[sflag:s23] =	ssyncset.done $0x0  }
0x8f: {  	[sflag:s23] =	ssyncadd.s32 $0xFFFFCE00  }
0x90: {  	[spmem:s2] =	stream.indirect.scatter.add.f32 [tilespmem:s20], [sflag:$0x2], $0x20, s22, s22, $0xb8;
	[tilespmem:$0x1BC20] =	vst v63  }
0x91: {  	_ =	swait.ge [sflag:s21], $0x3200  }
0x92: {  	s26 =	simm.s32 $0x32;
	s28 =	simm.s32 $0x64;
	[sflag:s21] =	ssyncset.done $0x0  }
.LBB2_5:
0x93: {  	s29 =	sadd.s32 s26, s19  }
0x94: {  	[sflag:s21] =	ssyncadd.s32 $0xFFFFCE00;
	s30 =	smov.u32 s28;
	s31 =	sadd.s32 $0x32, s28  }
0x95: {  	[tilespmem:s3], [sflag:$0x2] =	stream.linear.gather [hbm4b:s29+s3], $0x190, $0x38;
	[tilespmem:$0x1BC20] =	vst v63  }
0x96: {  	p1 =	seq.s32 s28, $0x1838;
	_ =	swait.ge [sflag:s21], $0x190  }
0x97: {  	[sflag:s21] =	ssyncset.done $0x0  }
0x98: {  	s28 =	sadd.s32 s26, s18;
	s26 =	smov.u32 s30;
	[sflag:s21] =	ssyncadd.s32 $0xFFFFFE70  }
0x99: {  	[tilespmem:s22], [sflag:$0x2] =	stream.linear.gather [hbm4b:s28+s3], $0x190, $0x38;
	[tilespmem:$0x1BC20] =	vst v63  }
0x9a: {  	_ =	swait.ge [sflag:s21], $0x190  }
0x9b: {  	[sflag:s21] =	ssyncset.done $0x0  }
0x9c: {  	[sflag:s21] =	ssyncadd.s32 $0xFFFFFE70  }
0x9d: {  	[tilespmem:s20], [sflag:$0x1] =	stream.indirect.gather [hbm4b:s4+s22], $0x20, s3, s22, $0xb8;
	[tilespmem:$0x1BC20] =	vst v63  }
0x9e: {  	_ =	swait.ge [sflag:s23], $0x3200  }
.Ltmp6:
0x9f: {  	[sflag:s23] =	ssyncset.done $0x0;
	(pc) =	sbr.rel @!p1 .LBB2_5-.Ltmp6, $4  }
0xa0: {  	[sflag:s23] =	ssyncadd.s32 $0xFFFFCE00  }
0xa1: {  	[spmem:s2] =	stream.indirect.scatter.add.f32 [tilespmem:s20], [sflag:$0x2], $0x20, s22, s22, $0xb8;
	[tilespmem:$0x1BC20] =	vst v63  }
0xa2: {  	_ =	swait.ge [sflag:s21], $0x3200  }
0xa3: {  	s28 =	smov.u32 s31;
	[sflag:s21] =	ssyncset.done $0x0  }
.Ltmp7:
0xa4: {  	_ = 	snop;
	(pc) =	sbr.rel .LBB2_6-.Ltmp7, $1  }
0xa5: {  	_ =	sdelay $0x3  }
.LBB2_11:
0xa6: {  	_ =	sfence.sel $0x180000  }
0xa7: {  	[bflag:$0x0] =	sbarrier.arrive $0xFFFF  }
0xa8: {  	p0 =	sne.s32 s1, $0x0;
	_ =	strace $0x90000047  }
0xa9: {  	s0 =	sadd.s32 @!p0 $0x100000, s0;
	[bflag:$0x2] =	sbarrier.arrive $0xFFFF  }
0xaa: {  	[sflag:s0] =	ssyncadd.tile.s32 @!p0 $0x1;
	_ =	shalt  }
.Lfunc_end2:
_tile_overlayer_lowered:
.L_overlay_start_2:
0xab: {  	(tag) =	ssettag $0x2  }
0xac: {  	s0 =	rddreg [dreg:$0x0];
	s2 =	stileid.u32  }
0xad: {  	s1 =	rddreg [dreg:$0x1];
	p0 =	sne.s32 s2, $0x0  }
0xae: {  	s3 =	rddreg [dreg:$0x2];
	[bflag:$0x3] =	sbarrier.arrive $0xFFFF;
	s2 =	simm.s32 @!p0 $0x1C02  }
0xaf: {  	[timem:s3], [sflag:s2] =	dma.local @!p0 [hbm:s0], s1  }
0xb0: {  	s0 =	simm.s32 @!p0 $0x2  }
0xb1: {  	_ =	swait.ge @!p0 [sflag:s0], s1  }
0xb2: {  	s1 =	ssub.s32 @!p0 $0x0, s1;
	[sflag:s0] =	ssyncset.done @!p0 $0x0  }
0xb3: {  	[sflag:s0] =	ssyncadd.s32 @!p0 s1  }
0xb4: {  	[bflag:$0x3] =	sbarrier.arrive $0xFFFF  }
0xb5: {  	_ =	shalt  }

</sc_bundles>
